<compile_context>
chip_gen: v7x
topology: tpu7x:2x2x1
jax: 0.10.2.dev20260603
libtpu: 0.0.44.dev20260713+nightly
codegen_flags: <defaults>
</compile_context>

<pallas_src>
import functools

import jax
import jax.numpy as jnp
from jax import lax
from jax.experimental import pallas as pl
from jax.experimental.pallas import tpu as pltpu
from jax.experimental.pallas import tpu_sc as plsc

S = 256
C = 64
BS = 2
N = 65536
RADIUS = float(1.5) / float(S) * 2.0
R2 = RADIUS * RADIUS

CHUNK = 4096
NCHUNK = N // CHUNK
GCHUNK = 128


def _prep_body(x_ref, y_ref, bi_ref, bj_ref, xn_ref, yn_ref):
    xn = -x_ref[...]
    yn = -y_ref[...]
    jf = ((1.0 - xn) * S - 1.0) / 2.0
    iyf = ((1.0 - yn) * S - 1.0) / 2.0
    bj_ref[...] = jnp.round(jf).astype(jnp.int32)
    bi_ref[...] = jnp.round(iyf).astype(jnp.int32)
    xn_ref[...] = xn
    yn_ref[...] = yn


def _prep(x, y):
    return pl.pallas_call(
        _prep_body,
        out_shape=[
            jax.ShapeDtypeStruct((BS, N), jnp.int32),
            jax.ShapeDtypeStruct((BS, N), jnp.int32),
            jax.ShapeDtypeStruct((BS, N), jnp.float32),
            jax.ShapeDtypeStruct((BS, N), jnp.float32),
        ],
    )(x, y)


def _splat(v):
    return jnp.broadcast_to(v, (16,))


def _sc_raster():
    info = plsc.get_sparse_core_info()
    nc, ns = info.num_cores, info.num_subcores
    nw = nc * ns
    rows_per_tile = (BS * S) // nw
    pix_per_tile = rows_per_tile * S
    nginner = pix_per_tile // GCHUNK

    mesh = plsc.VectorSubcoreMesh(core_axis_name="c", subcore_axis_name="s")

    @functools.partial(
        pl.kernel,
        mesh=mesh,
        out_type=jax.ShapeDtypeStruct((BS * S * S, C), jnp.float32),
        compiler_params=pltpu.CompilerParams(needs_layout_passes=False, use_tc_tiling_on_sc=False),
        scratch_types=[
            [pltpu.VMEM((CHUNK,), jnp.int32),
             pltpu.VMEM((CHUNK,), jnp.int32)],
            [pltpu.VMEM((CHUNK,), jnp.int32),
             pltpu.VMEM((CHUNK,), jnp.int32)],
            [pltpu.VMEM((CHUNK,), jnp.float32),
             pltpu.VMEM((CHUNK,), jnp.float32)],
            [pltpu.VMEM((CHUNK,), jnp.float32),
             pltpu.VMEM((CHUNK,), jnp.float32)],
            [pltpu.VMEM((CHUNK,), jnp.float32),
             pltpu.VMEM((CHUNK,), jnp.float32)],
            pltpu.VMEM((CHUNK + 16,), jnp.int32),
            pltpu.SemaphoreType.DMA,
            pltpu.SemaphoreType.DMA,
            pltpu.VMEM((4096 + 16,), jnp.float32),
            pltpu.VMEM((4096 + 16,), jnp.int32),
            pltpu.VMEM((4096 + 16,), jnp.float32),
            pltpu.VMEM((4096,), jnp.float32),
            pltpu.VMEM((GCHUNK, C), jnp.float32),
            pltpu.VMEM((GCHUNK, C), jnp.float32),
            pltpu.SemaphoreType.DMA,
            pltpu.SemaphoreType.DMA,
            pltpu.SemaphoreType.DMA,
            pltpu.SemaphoreType.DMA,
            pltpu.SemaphoreType.DMA,
        ],
    )
    def k(bi_h, bj_h, x_h, y_h, z_h, feats_h, out_h,
          cbi2, cbj2, cx2, cy2, cz2, plist, sem_ca, sem_cb,
          zbuf, wbuf, dbuf, asc,
          rows_a, rows_b, sem, sem_ga, sem_gb, sem_oa, sem_ob):
        cidx = lax.axis_index("c")
        sidx = lax.axis_index("s")
        wid = sidx * nc + cidx
        batch = wid // (nw // BS)
        row0 = (wid % (nw // BS)) * rows_per_tile
        pbase = batch * N
        pixbase = wid * pix_per_tile

        def init_body(i, _):
            sl = pl.ds(i * 16, 16)
            zbuf[sl] = jnp.full((16,), jnp.inf, jnp.float32)
            wbuf[sl] = jnp.full((16,), -1, jnp.int32)
            dbuf[sl] = jnp.zeros((16,), jnp.float32)
            return 0

        lax.fori_loop(0, pix_per_tile // 16 + 1, init_body, 0)

        def fire_chunk(kk, p, csem):
            base = pbase + kk * CHUNK
            for h, dst in ((bi_h, cbi2[p]), (bj_h, cbj2[p]), (x_h, cx2[p]),
                           (y_h, cy2[p]), (z_h, cz2[p])):
                pltpu.async_copy(h.at[pl.ds(base, CHUNK)], dst, csem)

        def drain_chunk(kk, p, csem):
            base = pbase + kk * CHUNK
            for h, dst in ((bi_h, cbi2[p]), (bj_h, cbj2[p]), (x_h, cx2[p]),
                           (y_h, cy2[p]), (z_h, cz2[p])):
                pltpu.make_async_copy(h.at[pl.ds(base, CHUNK)], dst,
                                      csem).wait()

        def process_chunk(kk, cbi, cbj, cx, cy, cz):
            base = pbase + kk * CHUNK

            def filt_body(i, cnt):
                lane = lax.iota(jnp.int32, 16)
                bv = cbi[pl.ds(i * 16, 16)]
                m = (bv >= row0 - 1) & (bv <= row0 + rows_per_tile)
                cs = plsc.cumsum(jnp.where(m, 1, 0))
                posx = jnp.where(m, cnt + cs - 1, CHUNK + lane)
                plsc.store_scatter(plist, [posx], lane + i * 16)
                return cnt + cs[15]

            cnt = lax.fori_loop(0, CHUNK // 16, filt_body, 0)

            def point_body(i, _):
                lane = lax.iota(jnp.int32, 16)
                di = lane // 3 - 1
                dj = lane % 3 - 1
                li = plsc.load_gather(plist, [_splat(i)])
                bi_v = plsc.load_gather(cbi, [li])
                bj_v = plsc.load_gather(cbj, [li])
                xs = plsc.load_gather(cx, [li])
                ys = plsc.load_gather(cy, [li])
                zs = plsc.load_gather(cz, [li])
                gp = li + base
                ci = bi_v + di
                cj = bj_v + dj
                cxv = 1.0 - (2.0 * cj.astype(jnp.float32) + 1.0) / S
                cyv = 1.0 - (2.0 * ci.astype(jnp.float32) + 1.0) / S
                dx = cxv - xs
                dy = cyv - ys
                d2 = dx * dx + dy * dy
                valid = ((ci >= row0) & (ci < row0 + rows_per_tile)
                         & (cj >= 0) & (cj < S) & (d2 <= R2))
                pix = (ci - row0) * S + cj
                pixc = jnp.clip(pix, 0, pix_per_tile - 1)
                oldz = plsc.load_gather(zbuf, [pixc])
                oldw = plsc.load_gather(wbuf, [pixc])
                upd = valid & ((zs < oldz) | ((zs == oldz) & (gp > oldw)))
                pixd = jnp.where(upd, pixc, pix_per_tile + lane)
                plsc.store_scatter(zbuf, [pixd], zs)
                plsc.store_scatter(wbuf, [pixd], gp)
                plsc.store_scatter(dbuf, [pixd], d2)
                return 0

            lax.fori_loop(0, cnt, point_body, 0)

        fire_chunk(0, 0, sem_ca)

        def chunk_pair(t, _):
            k0 = 2 * t
            k1 = 2 * t + 1
            fire_chunk(k1, 1, sem_cb)
            drain_chunk(k0, 0, sem_ca)
            process_chunk(k0, cbi2[0], cbj2[0], cx2[0], cy2[0], cz2[0])

            @pl.when(t < NCHUNK // 2 - 1)
            def _():
                fire_chunk(k0 + 2, 0, sem_ca)

            drain_chunk(k1, 1, sem_cb)
            process_chunk(k1, cbi2[1], cbj2[1], cx2[1], cy2[1], cz2[1])
            return 0

        lax.fori_loop(0, NCHUNK // 2, chunk_pair, 0)

        def alpha_body(i, _):
            sl = pl.ds(i * 16, 16)
            w = wbuf[sl]
            d = dbuf[sl]
            msk = w >= 0
            dn = jnp.clip(d / R2, 0.001, 1.0)
            bi32 = lax.bitcast_convert_type(dn, jnp.int32)
            y0 = lax.bitcast_convert_type(
                lax.shift_right_logical(bi32, 1) + jnp.int32(0x1FBD1DF5),
                jnp.float32)
            y1 = 0.5 * (y0 + dn / y0)
            y2 = 0.5 * (y1 + dn / y1)
            y3 = 0.5 * (y2 + dn / y2)
            a = jnp.where(msk, 1.0 - y3, 0.0)
            asc[sl] = a
            wbuf[sl] = jnp.maximum(w, 0)
            return 0

        lax.fori_loop(0, pix_per_tile // 16, alpha_body, 0)

        def fire_gather(j, rows, gsem):
            idx_ref = wbuf.at[pl.ds(j * GCHUNK, GCHUNK)]
            return pltpu.async_copy(feats_h.at[idx_ref], rows, gsem)

        def drain_gather(j, rows, gsem):
            idx_ref = wbuf.at[pl.ds(j * GCHUNK, GCHUNK)]
            pltpu.make_async_copy(feats_h.at[idx_ref], rows, gsem).wait()

        def scale_rows(j, rows):
            def mul_body(p, _):
                av = plsc.load_gather(asc, [_splat(j * GCHUNK + p)])
                pv = _splat(p)
                for q in range(C // 16):
                    qv = lax.iota(jnp.int32, 16) + q * 16
                    rv = plsc.load_gather(rows, [pv, qv])
                    plsc.store_scatter(rows, [pv, qv], rv * av)
                return 0

            lax.fori_loop(0, GCHUNK, mul_body, 0)

        fire_gather(0, rows_a, sem_ga)

        def gather_pair(t, _):
            j0 = 2 * t
            j1 = 2 * t + 1
            fire_gather(j1, rows_b, sem_gb)
            drain_gather(j0, rows_a, sem_ga)
            scale_rows(j0, rows_a)
            cpo = pltpu.async_copy(
                rows_a, out_h.at[pl.ds(pixbase + j0 * GCHUNK, GCHUNK)], sem_oa)
            cpo.wait()

            @pl.when(t < nginner // 2 - 1)
            def _():
                fire_gather(j0 + 2, rows_a, sem_ga)

            drain_gather(j1, rows_b, sem_gb)
            scale_rows(j1, rows_b)
            pltpu.async_copy(
                rows_b, out_h.at[pl.ds(pixbase + j1 * GCHUNK, GCHUNK)],
                sem_ob).wait()
            return 0

        lax.fori_loop(0, nginner // 2, gather_pair, 0)

    return k


def kernel(pts3D, src, default_feature):
    del default_feature
    x = pts3D[:, :, 0]
    y = pts3D[:, :, 1]
    z = pts3D[:, :, 2].reshape(-1)
    bi, bj, xn, yn = _prep(x, y)
    feats = src.transpose(0, 2, 1).reshape(BS * N, C)
    out_rows = _sc_raster()(
        bi.reshape(-1), bj.reshape(-1), xn.reshape(-1), yn.reshape(-1),
        z, feats)
    return out_rows.reshape(BS, S, S, C).transpose(0, 3, 1, 2)

# --- scband reference (transcript-rebuilt; emitter-appended) ---
"""Pipeline reference for scband-rasterize-points-xys-blending-9337258902371 (READ-ONLY COPY).

The authoritative reference and input builder live on the scoring server;
editing this copy changes nothing except your own understanding.
"""

import jax, jax.numpy as jnp
import numpy as np

S = 256
C = 64
BS = 2
N = 65536
RADIUS_PX = 1.5
RAD_POW = 2
TAU = 1.0
K_OFF = 2


def setup_inputs(seed: int = 0) -> dict:
    key = jax.random.key(seed)
    k1, k2, k3, k4 = jax.random.split(key, 4)
    xy = jax.random.uniform(k1, (BS, N, 2), minval=-1.0, maxval=1.0, dtype=jnp.float32)
    z = jax.random.uniform(k2, (BS, N, 1), minval=0.1, maxval=10.0, dtype=jnp.float32)
    pts3D = jnp.concatenate([xy, z], axis=-1)
    src = jax.random.normal(k3, (BS, C, N), dtype=jnp.float32)
    default_feature = jax.random.normal(k4, (1, C, 1), dtype=jnp.float32)
    return {"pts3D": pts3D, "src": src, "default_feature": default_feature}


def _forward(pts3D, src, default_feature):
    bs, c, n = src.shape
    radius = float(RADIUS_PX) / float(S) * 2.0
    # flip x and y as in the torch forward
    x = -pts3D[:, :, 0]
    y = -pts3D[:, :, 1]
    z = pts3D[:, :, 2]
    # pytorch3d NDC convention: pixel j center x_ndc = 1 - (2j+1)/S
    jf = ((1.0 - x) * S - 1.0) / 2.0
    iyf = ((1.0 - y) * S - 1.0) / 2.0
    bj = jnp.round(jf).astype(jnp.int32)
    bi = jnp.round(iyf).astype(jnp.int32)
    offs = jnp.arange(-K_OFF, K_OFF + 1, dtype=jnp.int32)
    di, dj = jnp.meshgrid(offs, offs, indexing="ij")
    di = di.reshape(-1)
    dj = dj.reshape(-1)
    ci = bi[:, :, None] + di[None, None, :]
    cj = bj[:, :, None] + dj[None, None, :]
    cx = 1.0 - (2.0 * cj.astype(jnp.float32) + 1.0) / S
    cy = 1.0 - (2.0 * ci.astype(jnp.float32) + 1.0) / S
    d2 = (cx - x[:, :, None]) ** 2 + (cy - y[:, :, None]) ** 2
    inb = (ci >= 0) & (ci < S) & (cj >= 0) & (cj < S)
    valid = inb & (d2 <= radius ** 2) & (z[:, :, None] > 0)
    bidx = jnp.arange(bs, dtype=jnp.int32)[:, None, None]
    pix = (bidx * (S * S) + jnp.clip(ci, 0, S - 1) * S + jnp.clip(cj, 0, S - 1)).reshape(-1)
    zc = jnp.broadcast_to(z[:, :, None], valid.shape).reshape(-1)
    validf = valid.reshape(-1)
    zkey = jnp.where(validf, jax.lax.stop_gradient(zc), jnp.inf)
    nseg = bs * S * S
    minz = jax.ops.segment_min(zkey, pix, num_segments=nseg)
    winner = validf & (zkey == minz[pix]) & jnp.isfinite(zkey)
    gpid = (bidx * n + jnp.arange(n, dtype=jnp.int32)[None, :, None]) + jnp.zeros_like(ci)
    gpid = gpid.reshape(-1)
    idx = jax.ops.segment_max(jnp.where(winner, gpid, -1), pix, num_segments=nseg)
    mask = (idx >= 0).astype(jnp.float32)
    idxc = jnp.clip(idx, 0, bs * n - 1)
    xf = x.reshape(-1)
    yf = y.reshape(-1)
    pi = (jnp.arange(nseg) // S) % S
    pj = jnp.arange(nseg) % S
    pcx = 1.0 - (2.0 * pj.astype(jnp.float32) + 1.0) / S
    pcy = 1.0 - (2.0 * pi.astype(jnp.float32) + 1.0) / S
    # differentiable re-computation of splat distance for the winning point
    dsel = (pcx - xf[idxc]) ** 2 + (pcy - yf[idxc]) ** 2
    dnorm = dsel / (radius ** RAD_POW)
    alpha = (1.0 - jnp.clip(dnorm, 0.001, 1.0) ** 0.5) ** TAU
    feats = src.transpose(0, 2, 1).reshape(bs * n, c)  # features_packed
    fsel = jnp.take(feats, idxc, axis=0)
    out = (alpha * mask)[:, None] * fsel
    out = out.reshape(bs, S, S, c).transpose(0, 3, 1, 2)
    return out


def reference(pts3D, src, default_feature):
    return _forward(pts3D, src, default_feature)

if __name__ == "__main__":
    import jax
    _d = setup_inputs()
    print(jax.jit(kernel)(*tuple(_d.values())))

</pallas_src>

<mosaic_0001>
#map = affine_map<(d0, d1) -> (0)>
#map1 = affine_map<(d0, d1) -> (0, 0)>
module attributes {stable_mosaic.version = 14 : i64} {
  func.func @k(%arg0: i32, %arg1: i32, %arg2: memref<131072xi32, #tpu.memory_space<hbm>>, %arg3: memref<131072xi32, #tpu.memory_space<hbm>>, %arg4: memref<131072xf32, #tpu.memory_space<hbm>>, %arg5: memref<131072xf32, #tpu.memory_space<hbm>>, %arg6: memref<131072xf32, #tpu.memory_space<hbm>>, %arg7: memref<131072x64xf32, #tpu.memory_space<hbm>>, %arg8: memref<131072x64xf32, #tpu.memory_space<hbm>>, %arg9: memref<4096xi32, #tpu.memory_space<vmem>>, %arg10: memref<4096xi32, #tpu.memory_space<vmem>>, %arg11: memref<4096xi32, #tpu.memory_space<vmem>>, %arg12: memref<4096xi32, #tpu.memory_space<vmem>>, %arg13: memref<4096xf32, #tpu.memory_space<vmem>>, %arg14: memref<4096xf32, #tpu.memory_space<vmem>>, %arg15: memref<4096xf32, #tpu.memory_space<vmem>>, %arg16: memref<4096xf32, #tpu.memory_space<vmem>>, %arg17: memref<4096xf32, #tpu.memory_space<vmem>>, %arg18: memref<4096xf32, #tpu.memory_space<vmem>>, %arg19: memref<4112xi32, #tpu.memory_space<vmem>>, %arg20: memref<!tpu.dma_semaphore, #tpu.memory_space<semaphore_mem>>, %arg21: memref<!tpu.dma_semaphore, #tpu.memory_space<semaphore_mem>>, %arg22: memref<4112xf32, #tpu.memory_space<vmem>>, %arg23: memref<4112xi32, #tpu.memory_space<vmem>>, %arg24: memref<4112xf32, #tpu.memory_space<vmem>>, %arg25: memref<4096xf32, #tpu.memory_space<vmem>>, %arg26: memref<128x64xf32, #tpu.memory_space<vmem>>, %arg27: memref<128x64xf32, #tpu.memory_space<vmem>>, %arg28: memref<!tpu.dma_semaphore, #tpu.memory_space<semaphore_mem>>, %arg29: memref<!tpu.dma_semaphore, #tpu.memory_space<semaphore_mem>>, %arg30: memref<!tpu.dma_semaphore, #tpu.memory_space<semaphore_mem>>, %arg31: memref<!tpu.dma_semaphore, #tpu.memory_space<semaphore_mem>>, %arg32: memref<!tpu.dma_semaphore, #tpu.memory_space<semaphore_mem>>) attributes {dimension_semantics = [#tpu.dimension_semantics<core_parallel>, #tpu.dimension_semantics<subcore_parallel>], iteration_bounds = array<i64: 2, 16>, scalar_prefetch = 0 : i64, scratch_operands = 24 : i64, tpu.core_type = #tpu.core_type<sc_vector_subcore>, window_params = [{transform_indices = #map}, {transform_indices = #map}, {transform_indices = #map}, {transform_indices = #map}, {transform_indices = #map}, {transform_indices = #map1}, {transform_indices = #map1}]} {
    %mul3A = arith.constant 2 : i32
    %mul3A_0 = arith.muli %arg1, %mul3A : i32
    %add3A = arith.addi %mul3A_0, %arg0 : i32
    %jit3A = arith.constant 16 : i32
    %div3A = arith.divsi %add3A, %jit3A : i32
    %sign3A = arith.constant 0 : i32
    %sign3A_1 = arith.cmpi sgt, %add3A, %sign3A : i32
    %sign3A_2 = arith.extui %sign3A_1 : i1 to i32
    %sign3A_3 = arith.constant 0 : i32
    %sign3A_4 = arith.cmpi slt, %add3A, %sign3A_3 : i32
    %sign3A_5 = arith.extui %sign3A_4 : i1 to i32
    %sign3A_6 = arith.subi %sign3A_2, %sign3A_5 : i32
    %sign3A_7 = arith.constant 0 : i32
    %sign3A_8 = arith.cmpi sgt, %jit3A, %sign3A_7 : i32
    %sign3A_9 = arith.extui %sign3A_8 : i1 to i32
    %sign3A_10 = arith.constant 0 : i32
    %sign3A_11 = arith.cmpi slt, %jit3A, %sign3A_10 : i32
    %sign3A_12 = arith.extui %sign3A_11 : i1 to i32
    %sign3A_13 = arith.subi %sign3A_9, %sign3A_12 : i32
    %ne3A = arith.cmpi ne, %sign3A_6, %sign3A_13 : i32
    %rem3A = arith.remsi %add3A, %jit3A : i32
    %ne3A_14 = arith.constant 0 : i32
    %ne3A_15 = arith.cmpi ne, %rem3A, %ne3A_14 : i32
    %and3A = arith.andi %ne3A, %ne3A_15 : i1
    %sub3A = arith.constant 1 : i32
    %sub3A_16 = arith.subi %div3A, %sub3A : i32
    %select_n3A = arith.select %and3A, %sub3A_16, %div3A : i32
    %jit3A_17 = arith.constant 16 : i32
    %eq3A = arith.constant 0 : i32
    %eq3A_18 = arith.cmpi eq, %jit3A_17, %eq3A : i32
    %jit3A_19 = arith.constant 1 : i32
    %select_n3A_20 = arith.select %eq3A_18, %jit3A_19, %jit3A_17 : i32
    %rem3A_21 = arith.remsi %add3A, %select_n3A_20 : i32
    %ne3A_22 = arith.constant 0 : i32
    %ne3A_23 = arith.cmpi ne, %rem3A_21, %ne3A_22 : i32
    %lt3A = arith.constant 0 : i32
    %lt3A_24 = arith.cmpi slt, %rem3A_21, %lt3A : i32
    %lt3A_25 = arith.constant 0 : i32
    %lt3A_26 = arith.cmpi slt, %select_n3A_20, %lt3A_25 : i32
    %ne3A_27 = arith.xori %lt3A_24, %lt3A_26 : i1
    %and3A_28 = arith.andi %ne3A_27, %ne3A_23 : i1
    %add3A_29 = arith.addi %rem3A_21, %select_n3A_20 : i32
    %select_n3A_30 = arith.select %and3A_28, %add3A_29, %rem3A_21 : i32
    %mul3A_31 = arith.constant 16 : i32
    %mul3A_32 = arith.muli %select_n3A_30, %mul3A_31 : i32
    %mul3A_33 = arith.constant 65536 : i32
    %mul3A_34 = arith.muli %select_n3A, %mul3A_33 : i32
    %mul3A_35 = arith.constant 4096 : i32
    %mul3A_36 = arith.muli %add3A, %mul3A_35 : i32
    %scan3A = arith.constant 0 : i32
    %scan3A_37 = arith.constant 0 : i32
    %scan3A_38 = arith.constant 257 : i32
    %scan3A_39 = arith.addi %scan3A_37, %scan3A_38 : i32
    %scan3A_40 = arith.constant 1 : i32
    %scan3A_41 = scf.for %scan3A_80 = %scan3A_37 to %scan3A_39 step %scan3A_40 iter_args(%scan3A_81 = %scan3A) -> (i32)  : i32 {
      %mul3A_82 = arith.constant 16 : i32
      %mul3A_83 = arith.muli %scan3A_80, %mul3A_82 : i32
      %broadcast_in_dim3A = arith.constant 0x7F800000 : f32
      %broadcast_in_dim3A_84 = vector.broadcast %broadcast_in_dim3A : f32 to vector<16xf32>
      %swap3A = arith.index_cast %mul3A_83 : i32 to index
      %swap3A_85 = tpu.vector_load %arg22[%swap3A] {strides = array<i32>} : memref<4112xf32, #tpu.memory_space<vmem>>, vector<16xf32>,
      tpu.vector_store %arg22[%swap3A], %broadcast_in_dim3A_84 {strides = array<i32>} : memref<4112xf32, #tpu.memory_space<vmem>>, vector<16xf32>,
      %broadcast_in_dim3A_86 = arith.constant -1 : i32
      %broadcast_in_dim3A_87 = vector.broadcast %broadcast_in_dim3A_86 : i32 to vector<16xi32>
      %swap3A_88 = arith.index_cast %mul3A_83 : i32 to index
      %swap3A_89 = tpu.vector_load %arg23[%swap3A_88] {strides = array<i32>} : memref<4112xi32, #tpu.memory_space<vmem>>, vector<16xi32>,
      tpu.vector_store %arg23[%swap3A_88], %broadcast_in_dim3A_87 {strides = array<i32>} : memref<4112xi32, #tpu.memory_space<vmem>>, vector<16xi32>,
      %broadcast_in_dim3A_90 = arith.constant 0.000000e+00 : f32
      %broadcast_in_dim3A_91 = vector.broadcast %broadcast_in_dim3A_90 : f32 to vector<16xf32>
      %swap3A_92 = arith.index_cast %mul3A_83 : i32 to index
      %swap3A_93 = tpu.vector_load %arg24[%swap3A_92] {strides = array<i32>} : memref<4112xf32, #tpu.memory_space<vmem>>, vector<16xf32>,
      tpu.vector_store %arg24[%swap3A_92], %broadcast_in_dim3A_91 {strides = array<i32>} : memref<4112xf32, #tpu.memory_space<vmem>>, vector<16xf32>,
      %scan3A_94 = arith.constant 0 : i32
      scf.yield %scan3A_94 : i32
    }
    %scan3A_42 = arith.constant 257 : i32
    %add3A_43 = arith.constant 0 : i32
    %add3A_44 = arith.addi %mul3A_34, %add3A_43 : i32
    %dma_start3A = tpu.memref_slice %arg2[%add3A_44] : memref<131072xi32, #tpu.memory_space<hbm>> -> memref<4096xi32, #tpu.memory_space<hbm>>
    %dma_start3A_45 = tpu.memref_slice %arg2[%add3A_44] : memref<131072xi32, #tpu.memory_space<hbm>> -> memref<4096xi32, #tpu.memory_space<hbm>>
    tpu.enqueue_dma source(%dma_start3A_45 : memref<4096xi32, #tpu.memory_space<hbm>>) target(%arg9 : memref<4096xi32, #tpu.memory_space<vmem>>) target_semaphore(%arg20 : memref<!tpu.dma_semaphore, #tpu.memory_space<semaphore_mem>>)
    %dma_start3A_46 = tpu.memref_slice %arg3[%add3A_44] : memref<131072xi32, #tpu.memory_space<hbm>> -> memref<4096xi32, #tpu.memory_space<hbm>>
    %dma_start3A_47 = tpu.memref_slice %arg3[%add3A_44] : memref<131072xi32, #tpu.memory_space<hbm>> -> memref<4096xi32, #tpu.memory_space<hbm>>
    tpu.enqueue_dma source(%dma_start3A_47 : memref<4096xi32, #tpu.memory_space<hbm>>) target(%arg11 : memref<4096xi32, #tpu.memory_space<vmem>>) target_semaphore(%arg20 : memref<!tpu.dma_semaphore, #tpu.memory_space<semaphore_mem>>)
    %dma_start3A_48 = tpu.memref_slice %arg4[%add3A_44] : memref<131072xf32, #tpu.memory_space<hbm>> -> memref<4096xf32, #tpu.memory_space<hbm>>
    %dma_start3A_49 = tpu.memref_slice %arg4[%add3A_44] : memref<131072xf32, #tpu.memory_space<hbm>> -> memref<4096xf32, #tpu.memory_space<hbm>>
    tpu.enqueue_dma source(%dma_start3A_49 : memref<4096xf32, #tpu.memory_space<hbm>>) target(%arg13 : memref<4096xf32, #tpu.memory_space<vmem>>) target_semaphore(%arg20 : memref<!tpu.dma_semaphore, #tpu.memory_space<semaphore_mem>>)
    %dma_start3A_50 = tpu.memref_slice %arg5[%add3A_44] : memref<131072xf32, #tpu.memory_space<hbm>> -> memref<4096xf32, #tpu.memory_space<hbm>>
    %dma_start3A_51 = tpu.memref_slice %arg5[%add3A_44] : memref<131072xf32, #tpu.memory_space<hbm>> -> memref<4096xf32, #tpu.memory_space<hbm>>
    tpu.enqueue_dma source(%dma_start3A_51 : memref<4096xf32, #tpu.memory_space<hbm>>) target(%arg15 : memref<4096xf32, #tpu.memory_space<vmem>>) target_semaphore(%arg20 : memref<!tpu.dma_semaphore, #tpu.memory_space<semaphore_mem>>)
    %dma_start3A_52 = tpu.memref_slice %arg6[%add3A_44] : memref<131072xf32, #tpu.memory_space<hbm>> -> memref<4096xf32, #tpu.memory_space<hbm>>
    %dma_start3A_53 = tpu.memref_slice %arg6[%add3A_44] : memref<131072xf32, #tpu.memory_space<hbm>> -> memref<4096xf32, #tpu.memory_space<hbm>>
    tpu.enqueue_dma source(%dma_start3A_53 : memref<4096xf32, #tpu.memory_space<hbm>>) target(%arg17 : memref<4096xf32, #tpu.memory_space<vmem>>) target_semaphore(%arg20 : memref<!tpu.dma_semaphore, #tpu.memory_space<semaphore_mem>>)
    %scan3A_54 = arith.constant 0 : i32
    %scan3A_55 = arith.constant 0 : i32
    %scan3A_56 = arith.constant 8 : i32
    %scan3A_57 = arith.addi %scan3A_55, %scan3A_56 : i32
    %scan3A_58 = arith.constant 1 : i32
    %scan3A_59 = scf.for %scan3A_80 = %scan3A_55 to %scan3A_57 step %scan3A_58 iter_args(%scan3A_81 = %scan3A_54) -> (i32)  : i32 {
      %mul3A_82 = arith.constant 2 : i32
      %mul3A_83 = arith.muli %mul3A_82, %scan3A_80 : i32
      %mul3A_84 = arith.constant 2 : i32
      %mul3A_85 = arith.muli %mul3A_84, %scan3A_80 : i32
      %add3A_86 = arith.constant 1 : i32
      %add3A_87 = arith.addi %mul3A_85, %add3A_86 : i32
      %mul3A_88 = arith.constant 4096 : i32
      %mul3A_89 = arith.muli %add3A_87, %mul3A_88 : i32
      %add3A_90 = arith.addi %mul3A_34, %mul3A_89 : i32
      %dma_start3A_91 = tpu.memref_slice %arg2[%add3A_90] : memref<131072xi32, #tpu.memory_space<hbm>> -> memref<4096xi32, #tpu.memory_space<hbm>>
      %dma_start3A_92 = tpu.memref_slice %arg2[%add3A_90] : memref<131072xi32, #tpu.memory_space<hbm>> -> memref<4096xi32, #tpu.memory_space<hbm>>
      tpu.enqueue_dma source(%dma_start3A_92 : memref<4096xi32, #tpu.memory_space<hbm>>) target(%arg10 : memref<4096xi32, #tpu.memory_space<vmem>>) target_semaphore(%arg21 : memref<!tpu.dma_semaphore, #tpu.memory_space<semaphore_mem>>)
      %dma_start3A_93 = tpu.memref_slice %arg3[%add3A_90] : memref<131072xi32, #tpu.memory_space<hbm>> -> memref<4096xi32, #tpu.memory_space<hbm>>
      %dma_start3A_94 = tpu.memref_slice %arg3[%add3A_90] : memref<131072xi32, #tpu.memory_space<hbm>> -> memref<4096xi32, #tpu.memory_space<hbm>>
      tpu.enqueue_dma source(%dma_start3A_94 : memref<4096xi32, #tpu.memory_space<hbm>>) target(%arg12 : memref<4096xi32, #tpu.memory_space<vmem>>) target_semaphore(%arg21 : memref<!tpu.dma_semaphore, #tpu.memory_space<semaphore_mem>>)
      %dma_start3A_95 = tpu.memref_slice %arg4[%add3A_90] : memref<131072xf32, #tpu.memory_space<hbm>> -> memref<4096xf32, #tpu.memory_space<hbm>>
      %dma_start3A_96 = tpu.memref_slice %arg4[%add3A_90] : memref<131072xf32, #tpu.memory_space<hbm>> -> memref<4096xf32, #tpu.memory_space<hbm>>
      tpu.enqueue_dma source(%dma_start3A_96 : memref<4096xf32, #tpu.memory_space<hbm>>) target(%arg14 : memref<4096xf32, #tpu.memory_space<vmem>>) target_semaphore(%arg21 : memref<!tpu.dma_semaphore, #tpu.memory_space<semaphore_mem>>)
      %dma_start3A_97 = tpu.memref_slice %arg5[%add3A_90] : memref<131072xf32, #tpu.memory_space<hbm>> -> memref<4096xf32, #tpu.memory_space<hbm>>
      %dma_start3A_98 = tpu.memref_slice %arg5[%add3A_90] : memref<131072xf32, #tpu.memory_space<hbm>> -> memref<4096xf32, #tpu.memory_space<hbm>>
      tpu.enqueue_dma source(%dma_start3A_98 : memref<4096xf32, #tpu.memory_space<hbm>>) target(%arg16 : memref<4096xf32, #tpu.memory_space<vmem>>) target_semaphore(%arg21 : memref<!tpu.dma_semaphore, #tpu.memory_space<semaphore_mem>>)
      %dma_start3A_99 = tpu.memref_slice %arg6[%add3A_90] : memref<131072xf32, #tpu.memory_space<hbm>> -> memref<4096xf32, #tpu.memory_space<hbm>>
      %dma_start3A_100 = tpu.memref_slice %arg6[%add3A_90] : memref<131072xf32, #tpu.memory_space<hbm>> -> memref<4096xf32, #tpu.memory_space<hbm>>
      tpu.enqueue_dma source(%dma_start3A_100 : memref<4096xf32, #tpu.memory_space<hbm>>) target(%arg18 : memref<4096xf32, #tpu.memory_space<vmem>>) target_semaphore(%arg21 : memref<!tpu.dma_semaphore, #tpu.memory_space<semaphore_mem>>)
      %mul3A_101 = arith.constant 4096 : i32
      %mul3A_102 = arith.muli %mul3A_83, %mul3A_101 : i32
      %add3A_103 = arith.addi %mul3A_34, %mul3A_102 : i32
      %dma_wait3A = tpu.memref_slice %arg2[%add3A_103] : memref<131072xi32, #tpu.memory_space<hbm>> -> memref<4096xi32, #tpu.memory_space<hbm>>
      %dma_wait3A_104 = tpu.memref_slice %arg2[%add3A_103] : memref<131072xi32, #tpu.memory_space<hbm>> -> memref<4096xi32, #tpu.memory_space<hbm>>
      tpu.wait_dma2 semaphore(%arg20 : memref<!tpu.dma_semaphore, #tpu.memory_space<semaphore_mem>>) src(%dma_wait3A_104 : memref<4096xi32, #tpu.memory_space<hbm>>) dst(%arg9 : memref<4096xi32, #tpu.memory_space<vmem>>)
      %dma_wait3A_105 = tpu.memref_slice %arg3[%add3A_103] : memref<131072xi32, #tpu.memory_space<hbm>> -> memref<4096xi32, #tpu.memory_space<hbm>>
      %dma_wait3A_106 = tpu.memref_slice %arg3[%add3A_103] : memref<131072xi32, #tpu.memory_space<hbm>> -> memref<4096xi32, #tpu.memory_space<hbm>>
      tpu.wait_dma2 semaphore(%arg20 : memref<!tpu.dma_semaphore, #tpu.memory_space<semaphore_mem>>) src(%dma_wait3A_106 : memref<4096xi32, #tpu.memory_space<hbm>>) dst(%arg11 : memref<4096xi32, #tpu.memory_space<vmem>>)
      %dma_wait3A_107 = tpu.memref_slice %arg4[%add3A_103] : memref<131072xf32, #tpu.memory_space<hbm>> -> memref<4096xf32, #tpu.memory_space<hbm>>
      %dma_wait3A_108 = tpu.memref_slice %arg4[%add3A_103] : memref<131072xf32, #tpu.memory_space<hbm>> -> memref<4096xf32, #tpu.memory_space<hbm>>
      tpu.wait_dma2 semaphore(%arg20 : memref<!tpu.dma_semaphore, #tpu.memory_space<semaphore_mem>>) src(%dma_wait3A_108 : memref<4096xf32, #tpu.memory_space<hbm>>) dst(%arg13 : memref<4096xf32, #tpu.memory_space<vmem>>)
      %dma_wait3A_109 = tpu.memref_slice %arg5[%add3A_103] : memref<131072xf32, #tpu.memory_space<hbm>> -> memref<4096xf32, #tpu.memory_space<hbm>>
      %dma_wait3A_110 = tpu.memref_slice %arg5[%add3A_103] : memref<131072xf32, #tpu.memory_space<hbm>> -> memref<4096xf32, #tpu.memory_space<hbm>>
      tpu.wait_dma2 semaphore(%arg20 : memref<!tpu.dma_semaphore, #tpu.memory_space<semaphore_mem>>) src(%dma_wait3A_110 : memref<4096xf32, #tpu.memory_space<hbm>>) dst(%arg15 : memref<4096xf32, #tpu.memory_space<vmem>>)
      %dma_wait3A_111 = tpu.memref_slice %arg6[%add3A_103] : memref<131072xf32, #tpu.memory_space<hbm>> -> memref<4096xf32, #tpu.memory_space<hbm>>
      %dma_wait3A_112 = tpu.memref_slice %arg6[%add3A_103] : memref<131072xf32, #tpu.memory_space<hbm>> -> memref<4096xf32, #tpu.memory_space<hbm>>
      tpu.wait_dma2 semaphore(%arg20 : memref<!tpu.dma_semaphore, #tpu.memory_space<semaphore_mem>>) src(%dma_wait3A_112 : memref<4096xf32, #tpu.memory_space<hbm>>) dst(%arg17 : memref<4096xf32, #tpu.memory_space<vmem>>)
      %mul3A_113 = arith.constant 4096 : i32
      %mul3A_114 = arith.muli %mul3A_83, %mul3A_113 : i32
      %add3A_115 = arith.addi %mul3A_34, %mul3A_114 : i32
      %scan3A_116 = arith.constant 0 : i32
      %scan3A_117 = arith.constant 0 : i32
      %scan3A_118 = arith.constant 256 : i32
      %scan3A_119 = arith.addi %scan3A_117, %scan3A_118 : i32
      %scan3A_120 = arith.constant 1 : i32
      %scan3A_121 = scf.for %scan3A_173 = %scan3A_117 to %scan3A_119 step %scan3A_120 iter_args(%scan3A_174 = %scan3A_116) -> (i32)  : i32 {
        %iota3A = tpu.iota {dimensions = array<i32: 0>} : vector<16xi32>
        %mul3A_175 = arith.constant 16 : i32
        %mul3A_176 = arith.muli %scan3A_173, %mul3A_175 : i32
        %get3A = arith.index_cast %mul3A_176 : i32 to index
        %get3A_177 = tpu.vector_load %arg9[%get3A] {strides = array<i32>} : memref<4096xi32, #tpu.memory_space<vmem>>, vector<16xi32>,
        %sub3A_178 = arith.constant 1 : i32
        %sub3A_179 = arith.subi %mul3A_32, %sub3A_178 : i32
        %ge3A = vector.broadcast %sub3A_179 : i32 to vector<16xi32>
        %ge3A_180 = arith.cmpi sge, %get3A_177, %ge3A : vector<16xi32>
        %add3A_181 = arith.constant 16 : i32
        %add3A_182 = arith.addi %mul3A_32, %add3A_181 : i32
        %le3A = vector.broadcast %add3A_182 : i32 to vector<16xi32>
        %le3A_183 = arith.cmpi sle, %get3A_177, %le3A : vector<16xi32>
        %and3A_184 = arith.andi %ge3A_180, %le3A_183 : vector<16xi1>
        %jit3A_185 = arith.constant 1 : i32
        %jit3A_186 = arith.constant 0 : i32
        %broadcast_in_dim3A = vector.broadcast %jit3A_185 : i32 to vector<16xi32>
        %broadcast_in_dim3A_187 = vector.broadcast %jit3A_186 : i32 to vector<16xi32>
        %select_n3A_188 = arith.select %and3A_184, %broadcast_in_dim3A, %broadcast_in_dim3A_187 : vector<16xi1>, vector<16xi32>
        %broadcast_in_dim3A_189 = arith.constant true
        %broadcast_in_dim3A_190 = vector.broadcast %broadcast_in_dim3A_189 : i1 to vector<16xi1>
        %masked_cumsum3A = tpu.scan <sum>, %select_n3A_188 masked %broadcast_in_dim3A_190 : vector<16xi32>, vector<16xi1> -> vector<16xi32>
        %add3A_191 = vector.broadcast %scan3A_174 : i32 to vector<16xi32>
        %add3A_192 = arith.addi %add3A_191, %masked_cumsum3A : vector<16xi32>
        %sub3A_193 = arith.constant 1 : i32
        %sub3A_194 = vector.broadcast %sub3A_193 : i32 to vector<16xi32>
        %sub3A_195 = arith.subi %add3A_192, %sub3A_194 : vector<16xi32>
        %add3A_196 = arith.constant 4096 : i32
        %add3A_197 = vector.broadcast %add3A_196 : i32 to vector<16xi32>
        %add3A_198 = arith.addi %add3A_197, %iota3A : vector<16xi32>
        %select_n3A_199 = arith.select %and3A_184, %sub3A_195, %add3A_198 : vector<16xi1>, vector<16xi32>
        %mul3A_200 = arith.constant 16 : i32
        %mul3A_201 = arith.muli %scan3A_173, %mul3A_200 : i32
        %add3A_202 = vector.broadcast %mul3A_201 : i32 to vector<16xi32>
        %add3A_203 = arith.addi %iota3A, %add3A_202 : vector<16xi32>
        tpu.vector_store_idx %arg19[%select_n3A_199], %add3A_203 : memref<4112xi32, #tpu.memory_space<vmem>>[vector<16xi32>], vector<16xi32>,
        %slice3A = vector.extract_strided_slice %masked_cumsum3A {offsets = [15], sizes = [1], strides = [1]} : vector<16xi32> to vector<1xi32>
        %squeeze3A = vector.extract %slice3A[0] : i32 from vector<1xi32>
        %add3A_204 = arith.addi %scan3A_174, %squeeze3A : i32
        scf.yield %add3A_204 : i32
      }
      %scan3A_122 = arith.constant 256 : i32
      %while3A = arith.constant 0 : i32
      %while3A_123 = arith.constant 0 : i32
      %while3A_124 = arith.subi %scan3A_121, %while3A : i32
      %while3A_125 = arith.addi %while3A, %while3A_124 : i32
      %while3A_126 = arith.constant 1 : i32
      %while3A_127 = arith.divsi %while3A_124, %while3A_126 : i32
      %while3A_128 = arith.muli %while3A_127, %while3A_126 : i32
      %while3A_129 = arith.addi %while3A, %while3A_128 : i32
      %while3A_130 = arith.constant 1 : i32
      %while3A_131 = scf.for %while3A_173 = %while3A to %while3A_129 step %while3A_130 iter_args(%while3A_174 = %while3A_123) -> (i32)  : i32 {
        %iota3A = tpu.iota {dimensions = array<i32: 0>} : vector<16xi32>
        %jit3A_175 = arith.constant 3 : i32
        %div3A_176 = vector.broadcast %jit3A_175 : i32 to vector<16xi32>
        %div3A_177 = arith.divsi %iota3A, %div3A_176 : vector<16xi32>
        %sign3A_178 = arith.constant 0 : i32
        %sign3A_179 = vector.broadcast %sign3A_178 : i32 to vector<16xi32>
        %sign3A_180 = arith.cmpi sgt, %iota3A, %sign3A_179 : vector<16xi32>
        %sign3A_181 = arith.extui %sign3A_180 : vector<16xi1> to vector<16xi32>
        %sign3A_182 = arith.constant 0 : i32
        %sign3A_183 = vector.broadcast %sign3A_182 : i32 to vector<16xi32>
        %sign3A_184 = arith.cmpi slt, %iota3A, %sign3A_183 : vector<16xi32>
        %sign3A_185 = arith.extui %sign3A_184 : vector<16xi1> to vector<16xi32>
        %sign3A_186 = arith.subi %sign3A_181, %sign3A_185 : vector<16xi32>
        %sign3A_187 = arith.constant 0 : i32
        %sign3A_188 = arith.cmpi sgt, %jit3A_175, %sign3A_187 : i32
        %sign3A_189 = arith.extui %sign3A_188 : i1 to i32
        %sign3A_190 = arith.constant 0 : i32
        %sign3A_191 = arith.cmpi slt, %jit3A_175, %sign3A_190 : i32
        %sign3A_192 = arith.extui %sign3A_191 : i1 to i32
        %sign3A_193 = arith.subi %sign3A_189, %sign3A_192 : i32
        %ne3A_194 = vector.broadcast %sign3A_193 : i32 to vector<16xi32>
        %ne3A_195 = arith.cmpi ne, %sign3A_186, %ne3A_194 : vector<16xi32>
        %rem3A_196 = vector.broadcast %jit3A_175 : i32 to vector<16xi32>
        %rem3A_197 = arith.remsi %iota3A, %rem3A_196 : vector<16xi32>
        %ne3A_198 = arith.constant 0 : i32
        %ne3A_199 = vector.broadcast %ne3A_198 : i32 to vector<16xi32>
        %ne3A_200 = arith.cmpi ne, %rem3A_197, %ne3A_199 : vector<16xi32>
        %and3A_201 = arith.andi %ne3A_195, %ne3A_200 : vector<16xi1>
        %sub3A_202 = arith.constant 1 : i32
        %sub3A_203 = vector.broadcast %sub3A_202 : i32 to vector<16xi32>
        %sub3A_204 = arith.subi %div3A_177, %sub3A_203 : vector<16xi32>
        %select_n3A_205 = arith.select %and3A_201, %sub3A_204, %div3A_177 : vector<16xi1>, vector<16xi32>
        %sub3A_206 = arith.constant 1 : i32
        %sub3A_207 = vector.broadcast %sub3A_206 : i32 to vector<16xi32>
        %sub3A_208 = arith.subi %select_n3A_205, %sub3A_207 : vector<16xi32>
        %jit3A_209 = arith.constant 3 : i32
        %eq3A_210 = arith.constant 0 : i32
        %eq3A_211 = arith.cmpi eq, %jit3A_209, %eq3A_210 : i32
        %jit3A_212 = arith.constant 1 : i32
        %select_n3A_213 = arith.select %eq3A_211, %jit3A_212, %jit3A_209 : i32
        %rem3A_214 = vector.broadcast %select_n3A_213 : i32 to vector<16xi32>
        %rem3A_215 = arith.remsi %iota3A, %rem3A_214 : vector<16xi32>
        %ne3A_216 = arith.constant 0 : i32
        %ne3A_217 = vector.broadcast %ne3A_216 : i32 to vector<16xi32>
        %ne3A_218 = arith.cmpi ne, %rem3A_215, %ne3A_217 : vector<16xi32>
        %lt3A_219 = arith.constant 0 : i32
        %lt3A_220 = vector.broadcast %lt3A_219 : i32 to vector<16xi32>
        %lt3A_221 = arith.cmpi slt, %rem3A_215, %lt3A_220 : vector<16xi32>
        %lt3A_222 = arith.constant 0 : i32
        %lt3A_223 = arith.cmpi slt, %select_n3A_213, %lt3A_222 : i32
        %ne3A_224 = vector.broadcast %lt3A_223 : i1 to vector<16xi1>
        %ne3A_225 = vector.broadcast %ne3A_224 : vector<16xi1> to vector<16xi1>
        %ne3A_226 = arith.xori %lt3A_221, %ne3A_225 : vector<16xi1>
        %and3A_227 = arith.andi %ne3A_226, %ne3A_218 : vector<16xi1>
        %add3A_228 = vector.broadcast %select_n3A_213 : i32 to vector<16xi32>
        %add3A_229 = arith.addi %rem3A_215, %add3A_228 : vector<16xi32>
        %select_n3A_230 = arith.select %and3A_227, %add3A_229, %rem3A_215 : vector<16xi1>, vector<16xi32>
        %sub3A_231 = arith.constant 1 : i32
        %sub3A_232 = vector.broadcast %sub3A_231 : i32 to vector<16xi32>
        %sub3A_233 = arith.subi %select_n3A_230, %sub3A_232 : vector<16xi32>
        %broadcast_in_dim3A = vector.broadcast %while3A_173 : i32 to vector<16xi32>
        %gather3A = tpu.vector_load_idx %arg19[%broadcast_in_dim3A] : memref<4112xi32, #tpu.memory_space<vmem>>[vector<16xi32>], vector<16xi32>,
        %gather3A_234 = tpu.vector_load_idx %arg9[%gather3A] : memref<4096xi32, #tpu.memory_space<vmem>>[vector<16xi32>], vector<16xi32>,
        %gather3A_235 = tpu.vector_load_idx %arg11[%gather3A] : memref<4096xi32, #tpu.memory_space<vmem>>[vector<16xi32>], vector<16xi32>,
        %gather3A_236 = tpu.vector_load_idx %arg13[%gather3A] : memref<4096xf32, #tpu.memory_space<vmem>>[vector<16xi32>], vector<16xf32>,
        %gather3A_237 = tpu.vector_load_idx %arg15[%gather3A] : memref<4096xf32, #tpu.memory_space<vmem>>[vector<16xi32>], vector<16xf32>,
        %gather3A_238 = tpu.vector_load_idx %arg17[%gather3A] : memref<4096xf32, #tpu.memory_space<vmem>>[vector<16xi32>], vector<16xf32>,
        %add3A_239 = vector.broadcast %add3A_115 : i32 to vector<16xi32>
        %add3A_240 = arith.addi %gather3A, %add3A_239 : vector<16xi32>
        %add3A_241 = arith.addi %gather3A_234, %sub3A_208 : vector<16xi32>
        %add3A_242 = arith.addi %gather3A_235, %sub3A_233 : vector<16xi32>
        %convert_element_type3A_243 = arith.sitofp %add3A_242 : vector<16xi32> to vector<16xf32>
        %mul3A_244 = arith.constant 2.000000e+00 : f32
        %mul3A_245 = vector.broadcast %mul3A_244 : f32 to vector<16xf32>
        %mul3A_246 = arith.mulf %mul3A_245, %convert_element_type3A_243 : vector<16xf32>
        %add3A_247 = arith.constant 1.000000e+00 : f32
        %add3A_248 = vector.broadcast %add3A_247 : f32 to vector<16xf32>
        %add3A_249 = arith.addf %mul3A_246, %add3A_248 : vector<16xf32>
        %div3A_250 = arith.constant 2.560000e+02 : f32
        %div3A_251 = vector.broadcast %div3A_250 : f32 to vector<16xf32>
        %div3A_252 = arith.divf %add3A_249, %div3A_251 : vector<16xf32>
        %sub3A_253 = arith.constant 1.000000e+00 : f32
        %sub3A_254 = vector.broadcast %sub3A_253 : f32 to vector<16xf32>
        %sub3A_255 = arith.subf %sub3A_254, %div3A_252 : vector<16xf32>
        %convert_element_type3A_256 = arith.sitofp %add3A_241 : vector<16xi32> to vector<16xf32>
        %mul3A_257 = arith.constant 2.000000e+00 : f32
        %mul3A_258 = vector.broadcast %mul3A_257 : f32 to vector<16xf32>
        %mul3A_259 = arith.mulf %mul3A_258, %convert_element_type3A_256 : vector<16xf32>
        %add3A_260 = arith.constant 1.000000e+00 : f32
        %add3A_261 = vector.broadcast %add3A_260 : f32 to vector<16xf32>
        %add3A_262 = arith.addf %mul3A_259, %add3A_261 : vector<16xf32>
        %div3A_263 = arith.constant 2.560000e+02 : f32
        %div3A_264 = vector.broadcast %div3A_263 : f32 to vector<16xf32>
        %div3A_265 = arith.divf %add3A_262, %div3A_264 : vector<16xf32>
        %sub3A_266 = arith.constant 1.000000e+00 : f32
        %sub3A_267 = vector.broadcast %sub3A_266 : f32 to vector<16xf32>
        %sub3A_268 = arith.subf %sub3A_267, %div3A_265 : vector<16xf32>
        %sub3A_269 = arith.subf %sub3A_255, %gather3A_236 : vector<16xf32>
        %sub3A_270 = arith.subf %sub3A_268, %gather3A_237 : vector<16xf32>
        %mul3A_271 = arith.mulf %sub3A_269, %sub3A_269 : vector<16xf32>
        %mul3A_272 = arith.mulf %sub3A_270, %sub3A_270 : vector<16xf32>
        %add3A_273 = arith.addf %mul3A_271, %mul3A_272 : vector<16xf32>
        %ge3A = vector.broadcast %mul3A_32 : i32 to vector<16xi32>
        %ge3A_274 = arith.cmpi sge, %add3A_241, %ge3A : vector<16xi32>
        %add3A_275 = arith.constant 16 : i32
        %add3A_276 = arith.addi %mul3A_32, %add3A_275 : i32
        %lt3A_277 = vector.broadcast %add3A_276 : i32 to vector<16xi32>
        %lt3A_278 = arith.cmpi slt, %add3A_241, %lt3A_277 : vector<16xi32>
        %and3A_279 = arith.andi %ge3A_274, %lt3A_278 : vector<16xi1>
        %ge3A_280 = arith.constant 0 : i32
        %ge3A_281 = vector.broadcast %ge3A_280 : i32 to vector<16xi32>
        %ge3A_282 = arith.cmpi sge, %add3A_242, %ge3A_281 : vector<16xi32>
        %and3A_283 = arith.andi %and3A_279, %ge3A_282 : vector<16xi1>
        %lt3A_284 = arith.constant 256 : i32
        %lt3A_285 = vector.broadcast %lt3A_284 : i32 to vector<16xi32>
        %lt3A_286 = arith.cmpi slt, %add3A_242, %lt3A_285 : vector<16xi32>
        %and3A_287 = arith.andi %and3A_283, %lt3A_286 : vector<16xi1>
        %le3A = arith.constant 1.37329102E-4 : f32
        %le3A_288 = vector.broadcast %le3A : f32 to vector<16xf32>
        %le3A_289 = arith.cmpf ole, %add3A_273, %le3A_288 : vector<16xf32>
        %and3A_290 = arith.andi %and3A_287, %le3A_289 : vector<16xi1>
        %sub3A_291 = vector.broadcast %mul3A_32 : i32 to vector<16xi32>
        %sub3A_292 = arith.subi %add3A_241, %sub3A_291 : vector<16xi32>
        %mul3A_293 = arith.constant 256 : i32
        %mul3A_294 = vector.broadcast %mul3A_293 : i32 to vector<16xi32>
        %mul3A_295 = arith.muli %sub3A_292, %mul3A_294 : vector<16xi32>
        %add3A_296 = arith.addi %mul3A_295, %add3A_242 : vector<16xi32>
        %jit3A_297 = arith.constant 0 : i32
        %jit3A_298 = arith.constant 4095 : i32
        %max3A = vector.broadcast %jit3A_297 : i32 to vector<16xi32>
        %max3A_299 = arith.maxsi %max3A, %add3A_296 : vector<16xi32>
        %min3A = vector.broadcast %jit3A_298 : i32 to vector<16xi32>
        %min3A_300 = arith.minsi %min3A, %max3A_299 : vector<16xi32>
        %gather3A_301 = tpu.vector_load_idx %arg22[%min3A_300] : memref<4112xf32, #tpu.memory_space<vmem>>[vector<16xi32>], vector<16xf32>,
        %gather3A_302 = tpu.vector_load_idx %arg23[%min3A_300] : memref<4112xi32, #tpu.memory_space<vmem>>[vector<16xi32>], vector<16xi32>,
        %lt3A_303 = arith.cmpf olt, %gather3A_238, %gather3A_301 : vector<16xf32>
        %eq3A_304 = arith.cmpf oeq, %gather3A_238, %gather3A_301 : vector<16xf32>
        %gt3A = arith.cmpi sgt, %add3A_240, %gather3A_302 : vector<16xi32>
        %and3A_305 = arith.andi %eq3A_304, %gt3A : vector<16xi1>
        %or3A = arith.ori %lt3A_303, %and3A_305 : vector<16xi1>
        %and3A_306 = arith.andi %and3A_290, %or3A : vector<16xi1>
        %add3A_307 = arith.constant 4096 : i32
        %add3A_308 = vector.broadcast %add3A_307 : i32 to vector<16xi32>
        %add3A_309 = arith.addi %add3A_308, %iota3A : vector<16xi32>
        %select_n3A_310 = arith.select %and3A_306, %min3A_300, %add3A_309 : vector<16xi1>, vector<16xi32>
        tpu.vector_store_idx %arg22[%select_n3A_310], %gather3A_238 : memref<4112xf32, #tpu.memory_space<vmem>>[vector<16xi32>], vector<16xf32>,
        tpu.vector_store_idx %arg23[%select_n3A_310], %add3A_240 : memref<4112xi32, #tpu.memory_space<vmem>>[vector<16xi32>], vector<16xi32>,
        tpu.vector_store_idx %arg24[%select_n3A_310], %add3A_273 : memref<4112xf32, #tpu.memory_space<vmem>>[vector<16xi32>], vector<16xf32>,
        %while3A_311 = arith.constant 0 : i32
        scf.yield %while3A_311 : i32
      }
      %while3A_132 = arith.constant 1 : i32
      %while3A_133 = scf.for %while3A_173 = %while3A_129 to %while3A_125 step %while3A_132 iter_args(%while3A_174 = %while3A_131) -> (i32)  : i32 {
        %iota3A = tpu.iota {dimensions = array<i32: 0>} : vector<16xi32>
        %jit3A_175 = arith.constant 3 : i32
        %div3A_176 = vector.broadcast %jit3A_175 : i32 to vector<16xi32>
        %div3A_177 = arith.divsi %iota3A, %div3A_176 : vector<16xi32>
        %sign3A_178 = arith.constant 0 : i32
        %sign3A_179 = vector.broadcast %sign3A_178 : i32 to vector<16xi32>
        %sign3A_180 = arith.cmpi sgt, %iota3A, %sign3A_179 : vector<16xi32>
        %sign3A_181 = arith.extui %sign3A_180 : vector<16xi1> to vector<16xi32>
        %sign3A_182 = arith.constant 0 : i32
        %sign3A_183 = vector.broadcast %sign3A_182 : i32 to vector<16xi32>
        %sign3A_184 = arith.cmpi slt, %iota3A, %sign3A_183 : vector<16xi32>
        %sign3A_185 = arith.extui %sign3A_184 : vector<16xi1> to vector<16xi32>
        %sign3A_186 = arith.subi %sign3A_181, %sign3A_185 : vector<16xi32>
        %sign3A_187 = arith.constant 0 : i32
        %sign3A_188 = arith.cmpi sgt, %jit3A_175, %sign3A_187 : i32
        %sign3A_189 = arith.extui %sign3A_188 : i1 to i32
        %sign3A_190 = arith.constant 0 : i32
        %sign3A_191 = arith.cmpi slt, %jit3A_175, %sign3A_190 : i32
        %sign3A_192 = arith.extui %sign3A_191 : i1 to i32
        %sign3A_193 = arith.subi %sign3A_189, %sign3A_192 : i32
        %ne3A_194 = vector.broadcast %sign3A_193 : i32 to vector<16xi32>
        %ne3A_195 = arith.cmpi ne, %sign3A_186, %ne3A_194 : vector<16xi32>
        %rem3A_196 = vector.broadcast %jit3A_175 : i32 to vector<16xi32>
        %rem3A_197 = arith.remsi %iota3A, %rem3A_196 : vector<16xi32>
        %ne3A_198 = arith.constant 0 : i32
        %ne3A_199 = vector.broadcast %ne3A_198 : i32 to vector<16xi32>
        %ne3A_200 = arith.cmpi ne, %rem3A_197, %ne3A_199 : vector<16xi32>
        %and3A_201 = arith.andi %ne3A_195, %ne3A_200 : vector<16xi1>
        %sub3A_202 = arith.constant 1 : i32
        %sub3A_203 = vector.broadcast %sub3A_202 : i32 to vector<16xi32>
        %sub3A_204 = arith.subi %div3A_177, %sub3A_203 : vector<16xi32>
        %select_n3A_205 = arith.select %and3A_201, %sub3A_204, %div3A_177 : vector<16xi1>, vector<16xi32>
        %sub3A_206 = arith.constant 1 : i32
        %sub3A_207 = vector.broadcast %sub3A_206 : i32 to vector<16xi32>
        %sub3A_208 = arith.subi %select_n3A_205, %sub3A_207 : vector<16xi32>
        %jit3A_209 = arith.constant 3 : i32
        %eq3A_210 = arith.constant 0 : i32
        %eq3A_211 = arith.cmpi eq, %jit3A_209, %eq3A_210 : i32
        %jit3A_212 = arith.constant 1 : i32
        %select_n3A_213 = arith.select %eq3A_211, %jit3A_212, %jit3A_209 : i32
        %rem3A_214 = vector.broadcast %select_n3A_213 : i32 to vector<16xi32>
        %rem3A_215 = arith.remsi %iota3A, %rem3A_214 : vector<16xi32>
        %ne3A_216 = arith.constant 0 : i32
        %ne3A_217 = vector.broadcast %ne3A_216 : i32 to vector<16xi32>
        %ne3A_218 = arith.cmpi ne, %rem3A_215, %ne3A_217 : vector<16xi32>
        %lt3A_219 = arith.constant 0 : i32
        %lt3A_220 = vector.broadcast %lt3A_219 : i32 to vector<16xi32>
        %lt3A_221 = arith.cmpi slt, %rem3A_215, %lt3A_220 : vector<16xi32>
        %lt3A_222 = arith.constant 0 : i32
        %lt3A_223 = arith.cmpi slt, %select_n3A_213, %lt3A_222 : i32
        %ne3A_224 = vector.broadcast %lt3A_223 : i1 to vector<16xi1>
        %ne3A_225 = vector.broadcast %ne3A_224 : vector<16xi1> to vector<16xi1>
        %ne3A_226 = arith.xori %lt3A_221, %ne3A_225 : vector<16xi1>
        %and3A_227 = arith.andi %ne3A_226, %ne3A_218 : vector<16xi1>
        %add3A_228 = vector.broadcast %select_n3A_213 : i32 to vector<16xi32>
        %add3A_229 = arith.addi %rem3A_215, %add3A_228 : vector<16xi32>
        %select_n3A_230 = arith.select %and3A_227, %add3A_229, %rem3A_215 : vector<16xi1>, vector<16xi32>
        %sub3A_231 = arith.constant 1 : i32
        %sub3A_232 = vector.broadcast %sub3A_231 : i32 to vector<16xi32>
        %sub3A_233 = arith.subi %select_n3A_230, %sub3A_232 : vector<16xi32>
        %broadcast_in_dim3A = vector.broadcast %while3A_173 : i32 to vector<16xi32>
        %gather3A = tpu.vector_load_idx %arg19[%broadcast_in_dim3A] : memref<4112xi32, #tpu.memory_space<vmem>>[vector<16xi32>], vector<16xi32>,
        %gather3A_234 = tpu.vector_load_idx %arg9[%gather3A] : memref<4096xi32, #tpu.memory_space<vmem>>[vector<16xi32>], vector<16xi32>,
        %gather3A_235 = tpu.vector_load_idx %arg11[%gather3A] : memref<4096xi32, #tpu.memory_space<vmem>>[vector<16xi32>], vector<16xi32>,
        %gather3A_236 = tpu.vector_load_idx %arg13[%gather3A] : memref<4096xf32, #tpu.memory_space<vmem>>[vector<16xi32>], vector<16xf32>,
        %gather3A_237 = tpu.vector_load_idx %arg15[%gather3A] : memref<4096xf32, #tpu.memory_space<vmem>>[vector<16xi32>], vector<16xf32>,
        %gather3A_238 = tpu.vector_load_idx %arg17[%gather3A] : memref<4096xf32, #tpu.memory_space<vmem>>[vector<16xi32>], vector<16xf32>,
        %add3A_239 = vector.broadcast %add3A_115 : i32 to vector<16xi32>
        %add3A_240 = arith.addi %gather3A, %add3A_239 : vector<16xi32>
        %add3A_241 = arith.addi %gather3A_234, %sub3A_208 : vector<16xi32>
        %add3A_242 = arith.addi %gather3A_235, %sub3A_233 : vector<16xi32>
        %convert_element_type3A_243 = arith.sitofp %add3A_242 : vector<16xi32> to vector<16xf32>
        %mul3A_244 = arith.constant 2.000000e+00 : f32
        %mul3A_245 = vector.broadcast %mul3A_244 : f32 to vector<16xf32>
        %mul3A_246 = arith.mulf %mul3A_245, %convert_element_type3A_243 : vector<16xf32>
        %add3A_247 = arith.constant 1.000000e+00 : f32
        %add3A_248 = vector.broadcast %add3A_247 : f32 to vector<16xf32>
        %add3A_249 = arith.addf %mul3A_246, %add3A_248 : vector<16xf32>
        %div3A_250 = arith.constant 2.560000e+02 : f32
        %div3A_251 = vector.broadcast %div3A_250 : f32 to vector<16xf32>
        %div3A_252 = arith.divf %add3A_249, %div3A_251 : vector<16xf32>
        %sub3A_253 = arith.constant 1.000000e+00 : f32
        %sub3A_254 = vector.broadcast %sub3A_253 : f32 to vector<16xf32>
        %sub3A_255 = arith.subf %sub3A_254, %div3A_252 : vector<16xf32>
        %convert_element_type3A_256 = arith.sitofp %add3A_241 : vector<16xi32> to vector<16xf32>
        %mul3A_257 = arith.constant 2.000000e+00 : f32
        %mul3A_258 = vector.broadcast %mul3A_257 : f32 to vector<16xf32>
        %mul3A_259 = arith.mulf %mul3A_258, %convert_element_type3A_256 : vector<16xf32>
        %add3A_260 = arith.constant 1.000000e+00 : f32
        %add3A_261 = vector.broadcast %add3A_260 : f32 to vector<16xf32>
        %add3A_262 = arith.addf %mul3A_259, %add3A_261 : vector<16xf32>
        %div3A_263 = arith.constant 2.560000e+02 : f32
        %div3A_264 = vector.broadcast %div3A_263 : f32 to vector<16xf32>
        %div3A_265 = arith.divf %add3A_262, %div3A_264 : vector<16xf32>
        %sub3A_266 = arith.constant 1.000000e+00 : f32
        %sub3A_267 = vector.broadcast %sub3A_266 : f32 to vector<16xf32>
        %sub3A_268 = arith.subf %sub3A_267, %div3A_265 : vector<16xf32>
        %sub3A_269 = arith.subf %sub3A_255, %gather3A_236 : vector<16xf32>
        %sub3A_270 = arith.subf %sub3A_268, %gather3A_237 : vector<16xf32>
        %mul3A_271 = arith.mulf %sub3A_269, %sub3A_269 : vector<16xf32>
        %mul3A_272 = arith.mulf %sub3A_270, %sub3A_270 : vector<16xf32>
        %add3A_273 = arith.addf %mul3A_271, %mul3A_272 : vector<16xf32>
        %ge3A = vector.broadcast %mul3A_32 : i32 to vector<16xi32>
        %ge3A_274 = arith.cmpi sge, %add3A_241, %ge3A : vector<16xi32>
        %add3A_275 = arith.constant 16 : i32
        %add3A_276 = arith.addi %mul3A_32, %add3A_275 : i32
        %lt3A_277 = vector.broadcast %add3A_276 : i32 to vector<16xi32>
        %lt3A_278 = arith.cmpi slt, %add3A_241, %lt3A_277 : vector<16xi32>
        %and3A_279 = arith.andi %ge3A_274, %lt3A_278 : vector<16xi1>
        %ge3A_280 = arith.constant 0 : i32
        %ge3A_281 = vector.broadcast %ge3A_280 : i32 to vector<16xi32>
        %ge3A_282 = arith.cmpi sge, %add3A_242, %ge3A_281 : vector<16xi32>
        %and3A_283 = arith.andi %and3A_279, %ge3A_282 : vector<16xi1>
        %lt3A_284 = arith.constant 256 : i32
        %lt3A_285 = vector.broadcast %lt3A_284 : i32 to vector<16xi32>
        %lt3A_286 = arith.cmpi slt, %add3A_242, %lt3A_285 : vector<16xi32>
        %and3A_287 = arith.andi %and3A_283, %lt3A_286 : vector<16xi1>
        %le3A = arith.constant 1.37329102E-4 : f32
        %le3A_288 = vector.broadcast %le3A : f32 to vector<16xf32>
        %le3A_289 = arith.cmpf ole, %add3A_273, %le3A_288 : vector<16xf32>
        %and3A_290 = arith.andi %and3A_287, %le3A_289 : vector<16xi1>
        %sub3A_291 = vector.broadcast %mul3A_32 : i32 to vector<16xi32>
        %sub3A_292 = arith.subi %add3A_241, %sub3A_291 : vector<16xi32>
        %mul3A_293 = arith.constant 256 : i32
        %mul3A_294 = vector.broadcast %mul3A_293 : i32 to vector<16xi32>
        %mul3A_295 = arith.muli %sub3A_292, %mul3A_294 : vector<16xi32>
        %add3A_296 = arith.addi %mul3A_295, %add3A_242 : vector<16xi32>
        %jit3A_297 = arith.constant 0 : i32
        %jit3A_298 = arith.constant 4095 : i32
        %max3A = vector.broadcast %jit3A_297 : i32 to vector<16xi32>
        %max3A_299 = arith.maxsi %max3A, %add3A_296 : vector<16xi32>
        %min3A = vector.broadcast %jit3A_298 : i32 to vector<16xi32>
        %min3A_300 = arith.minsi %min3A, %max3A_299 : vector<16xi32>
        %gather3A_301 = tpu.vector_load_idx %arg22[%min3A_300] : memref<4112xf32, #tpu.memory_space<vmem>>[vector<16xi32>], vector<16xf32>,
        %gather3A_302 = tpu.vector_load_idx %arg23[%min3A_300] : memref<4112xi32, #tpu.memory_space<vmem>>[vector<16xi32>], vector<16xi32>,
        %lt3A_303 = arith.cmpf olt, %gather3A_238, %gather3A_301 : vector<16xf32>
        %eq3A_304 = arith.cmpf oeq, %gather3A_238, %gather3A_301 : vector<16xf32>
        %gt3A = arith.cmpi sgt, %add3A_240, %gather3A_302 : vector<16xi32>
        %and3A_305 = arith.andi %eq3A_304, %gt3A : vector<16xi1>
        %or3A = arith.ori %lt3A_303, %and3A_305 : vector<16xi1>
        %and3A_306 = arith.andi %and3A_290, %or3A : vector<16xi1>
        %add3A_307 = arith.constant 4096 : i32
        %add3A_308 = vector.broadcast %add3A_307 : i32 to vector<16xi32>
        %add3A_309 = arith.addi %add3A_308, %iota3A : vector<16xi32>
        %select_n3A_310 = arith.select %and3A_306, %min3A_300, %add3A_309 : vector<16xi1>, vector<16xi32>
        tpu.vector_store_idx %arg22[%select_n3A_310], %gather3A_238 : memref<4112xf32, #tpu.memory_space<vmem>>[vector<16xi32>], vector<16xf32>,
        tpu.vector_store_idx %arg23[%select_n3A_310], %add3A_240 : memref<4112xi32, #tpu.memory_space<vmem>>[vector<16xi32>], vector<16xi32>,
        tpu.vector_store_idx %arg24[%select_n3A_310], %add3A_273 : memref<4112xf32, #tpu.memory_space<vmem>>[vector<16xi32>], vector<16xf32>,
        %while3A_311 = arith.constant 0 : i32
        scf.yield %while3A_311 : i32
      }
      %lt3A_134 = arith.constant 7 : i32
      %lt3A_135 = arith.cmpi slt, %scan3A_80, %lt3A_134 : i32
      %convert_element_type3A = arith.extui %lt3A_135 : i1 to i32
      %cond3A = arith.constant 0 : i32
      %cond3A_136 = arith.cmpi ne, %convert_element_type3A, %cond3A : i32
      scf.if %cond3A_136 {
        %add3A_173 = arith.constant 2 : i32
        %add3A_174 = arith.addi %mul3A_83, %add3A_173 : i32
        %mul3A_175 = arith.constant 4096 : i32
        %mul3A_176 = arith.muli %add3A_174, %mul3A_175 : i32
        %add3A_177 = arith.addi %mul3A_34, %mul3A_176 : i32
        %dma_start3A_178 = tpu.memref_slice %arg2[%add3A_177] : memref<131072xi32, #tpu.memory_space<hbm>> -> memref<4096xi32, #tpu.memory_space<hbm>>
        %dma_start3A_179 = tpu.memref_slice %arg2[%add3A_177] : memref<131072xi32, #tpu.memory_space<hbm>> -> memref<4096xi32, #tpu.memory_space<hbm>>
        tpu.enqueue_dma source(%dma_start3A_179 : memref<4096xi32, #tpu.memory_space<hbm>>) target(%arg9 : memref<4096xi32, #tpu.memory_space<vmem>>) target_semaphore(%arg20 : memref<!tpu.dma_semaphore, #tpu.memory_space<semaphore_mem>>)
        %dma_start3A_180 = tpu.memref_slice %arg3[%add3A_177] : memref<131072xi32, #tpu.memory_space<hbm>> -> memref<4096xi32, #tpu.memory_space<hbm>>
        %dma_start3A_181 = tpu.memref_slice %arg3[%add3A_177] : memref<131072xi32, #tpu.memory_space<hbm>> -> memref<4096xi32, #tpu.memory_space<hbm>>
        tpu.enqueue_dma source(%dma_start3A_181 : memref<4096xi32, #tpu.memory_space<hbm>>) target(%arg11 : memref<4096xi32, #tpu.memory_space<vmem>>) target_semaphore(%arg20 : memref<!tpu.dma_semaphore, #tpu.memory_space<semaphore_mem>>)
        %dma_start3A_182 = tpu.memref_slice %arg4[%add3A_177] : memref<131072xf32, #tpu.memory_space<hbm>> -> memref<4096xf32, #tpu.memory_space<hbm>>
        %dma_start3A_183 = tpu.memref_slice %arg4[%add3A_177] : memref<131072xf32, #tpu.memory_space<hbm>> -> memref<4096xf32, #tpu.memory_space<hbm>>
        tpu.enqueue_dma source(%dma_start3A_183 : memref<4096xf32, #tpu.memory_space<hbm>>) target(%arg13 : memref<4096xf32, #tpu.memory_space<vmem>>) target_semaphore(%arg20 : memref<!tpu.dma_semaphore, #tpu.memory_space<semaphore_mem>>)
        %dma_start3A_184 = tpu.memref_slice %arg5[%add3A_177] : memref<131072xf32, #tpu.memory_space<hbm>> -> memref<4096xf32, #tpu.memory_space<hbm>>
        %dma_start3A_185 = tpu.memref_slice %arg5[%add3A_177] : memref<131072xf32, #tpu.memory_space<hbm>> -> memref<4096xf32, #tpu.memory_space<hbm>>
        tpu.enqueue_dma source(%dma_start3A_185 : memref<4096xf32, #tpu.memory_space<hbm>>) target(%arg15 : memref<4096xf32, #tpu.memory_space<vmem>>) target_semaphore(%arg20 : memref<!tpu.dma_semaphore, #tpu.memory_space<semaphore_mem>>)
        %dma_start3A_186 = tpu.memref_slice %arg6[%add3A_177] : memref<131072xf32, #tpu.memory_space<hbm>> -> memref<4096xf32, #tpu.memory_space<hbm>>
        %dma_start3A_187 = tpu.memref_slice %arg6[%add3A_177] : memref<131072xf32, #tpu.memory_space<hbm>> -> memref<4096xf32, #tpu.memory_space<hbm>>
        tpu.enqueue_dma source(%dma_start3A_187 : memref<4096xf32, #tpu.memory_space<hbm>>) target(%arg17 : memref<4096xf32, #tpu.memory_space<vmem>>) target_semaphore(%arg20 : memref<!tpu.dma_semaphore, #tpu.memory_space<semaphore_mem>>)
      } else {
      }
      %mul3A_137 = arith.constant 4096 : i32
      %mul3A_138 = arith.muli %add3A_87, %mul3A_137 : i32
      %add3A_139 = arith.addi %mul3A_34, %mul3A_138 : i32
      %dma_wait3A_140 = tpu.memref_slice %arg2[%add3A_139] : memref<131072xi32, #tpu.memory_space<hbm>> -> memref<4096xi32, #tpu.memory_space<hbm>>
      %dma_wait3A_141 = tpu.memref_slice %arg2[%add3A_139] : memref<131072xi32, #tpu.memory_space<hbm>> -> memref<4096xi32, #tpu.memory_space<hbm>>
      tpu.wait_dma2 semaphore(%arg21 : memref<!tpu.dma_semaphore, #tpu.memory_space<semaphore_mem>>) src(%dma_wait3A_141 : memref<4096xi32, #tpu.memory_space<hbm>>) dst(%arg10 : memref<4096xi32, #tpu.memory_space<vmem>>)
      %dma_wait3A_142 = tpu.memref_slice %arg3[%add3A_139] : memref<131072xi32, #tpu.memory_space<hbm>> -> memref<4096xi32, #tpu.memory_space<hbm>>
      %dma_wait3A_143 = tpu.memref_slice %arg3[%add3A_139] : memref<131072xi32, #tpu.memory_space<hbm>> -> memref<4096xi32, #tpu.memory_space<hbm>>
      tpu.wait_dma2 semaphore(%arg21 : memref<!tpu.dma_semaphore, #tpu.memory_space<semaphore_mem>>) src(%dma_wait3A_143 : memref<4096xi32, #tpu.memory_space<hbm>>) dst(%arg12 : memref<4096xi32, #tpu.memory_space<vmem>>)
      %dma_wait3A_144 = tpu.memref_slice %arg4[%add3A_139] : memref<131072xf32, #tpu.memory_space<hbm>> -> memref<4096xf32, #tpu.memory_space<hbm>>
      %dma_wait3A_145 = tpu.memref_slice %arg4[%add3A_139] : memref<131072xf32, #tpu.memory_space<hbm>> -> memref<4096xf32, #tpu.memory_space<hbm>>
      tpu.wait_dma2 semaphore(%arg21 : memref<!tpu.dma_semaphore, #tpu.memory_space<semaphore_mem>>) src(%dma_wait3A_145 : memref<4096xf32, #tpu.memory_space<hbm>>) dst(%arg14 : memref<4096xf32, #tpu.memory_space<vmem>>)
      %dma_wait3A_146 = tpu.memref_slice %arg5[%add3A_139] : memref<131072xf32, #tpu.memory_space<hbm>> -> memref<4096xf32, #tpu.memory_space<hbm>>
      %dma_wait3A_147 = tpu.memref_slice %arg5[%add3A_139] : memref<131072xf32, #tpu.memory_space<hbm>> -> memref<4096xf32, #tpu.memory_space<hbm>>
      tpu.wait_dma2 semaphore(%arg21 : memref<!tpu.dma_semaphore, #tpu.memory_space<semaphore_mem>>) src(%dma_wait3A_147 : memref<4096xf32, #tpu.memory_space<hbm>>) dst(%arg16 : memref<4096xf32, #tpu.memory_space<vmem>>)
      %dma_wait3A_148 = tpu.memref_slice %arg6[%add3A_139] : memref<131072xf32, #tpu.memory_space<hbm>> -> memref<4096xf32, #tpu.memory_space<hbm>>
      %dma_wait3A_149 = tpu.memref_slice %arg6[%add3A_139] : memref<131072xf32, #tpu.memory_space<hbm>> -> memref<4096xf32, #tpu.memory_space<hbm>>
      tpu.wait_dma2 semaphore(%arg21 : memref<!tpu.dma_semaphore, #tpu.memory_space<semaphore_mem>>) src(%dma_wait3A_149 : memref<4096xf32, #tpu.memory_space<hbm>>) dst(%arg18 : memref<4096xf32, #tpu.memory_space<vmem>>)
      %mul3A_150 = arith.constant 4096 : i32
      %mul3A_151 = arith.muli %add3A_87, %mul3A_150 : i32
      %add3A_152 = arith.addi %mul3A_34, %mul3A_151 : i32
      %scan3A_153 = arith.constant 0 : i32
      %scan3A_154 = arith.constant 0 : i32
      %scan3A_155 = arith.constant 256 : i32
      %scan3A_156 = arith.addi %scan3A_154, %scan3A_155 : i32
      %scan3A_157 = arith.constant 1 : i32
      %scan3A_158 = scf.for %scan3A_173 = %scan3A_154 to %scan3A_156 step %scan3A_157 iter_args(%scan3A_174 = %scan3A_153) -> (i32)  : i32 {
        %iota3A = tpu.iota {dimensions = array<i32: 0>} : vector<16xi32>
        %mul3A_175 = arith.constant 16 : i32
        %mul3A_176 = arith.muli %scan3A_173, %mul3A_175 : i32
        %get3A = arith.index_cast %mul3A_176 : i32 to index
        %get3A_177 = tpu.vector_load %arg10[%get3A] {strides = array<i32>} : memref<4096xi32, #tpu.memory_space<vmem>>, vector<16xi32>,
        %sub3A_178 = arith.constant 1 : i32
        %sub3A_179 = arith.subi %mul3A_32, %sub3A_178 : i32
        %ge3A = vector.broadcast %sub3A_179 : i32 to vector<16xi32>
        %ge3A_180 = arith.cmpi sge, %get3A_177, %ge3A : vector<16xi32>
        %add3A_181 = arith.constant 16 : i32
        %add3A_182 = arith.addi %mul3A_32, %add3A_181 : i32
        %le3A = vector.broadcast %add3A_182 : i32 to vector<16xi32>
        %le3A_183 = arith.cmpi sle, %get3A_177, %le3A : vector<16xi32>
        %and3A_184 = arith.andi %ge3A_180, %le3A_183 : vector<16xi1>
        %jit3A_185 = arith.constant 1 : i32
        %jit3A_186 = arith.constant 0 : i32
        %broadcast_in_dim3A = vector.broadcast %jit3A_185 : i32 to vector<16xi32>
        %broadcast_in_dim3A_187 = vector.broadcast %jit3A_186 : i32 to vector<16xi32>
        %select_n3A_188 = arith.select %and3A_184, %broadcast_in_dim3A, %broadcast_in_dim3A_187 : vector<16xi1>, vector<16xi32>
        %broadcast_in_dim3A_189 = arith.constant true
        %broadcast_in_dim3A_190 = vector.broadcast %broadcast_in_dim3A_189 : i1 to vector<16xi1>
        %masked_cumsum3A = tpu.scan <sum>, %select_n3A_188 masked %broadcast_in_dim3A_190 : vector<16xi32>, vector<16xi1> -> vector<16xi32>
        %add3A_191 = vector.broadcast %scan3A_174 : i32 to vector<16xi32>
        %add3A_192 = arith.addi %add3A_191, %masked_cumsum3A : vector<16xi32>
        %sub3A_193 = arith.constant 1 : i32
        %sub3A_194 = vector.broadcast %sub3A_193 : i32 to vector<16xi32>
        %sub3A_195 = arith.subi %add3A_192, %sub3A_194 : vector<16xi32>
        %add3A_196 = arith.constant 4096 : i32
        %add3A_197 = vector.broadcast %add3A_196 : i32 to vector<16xi32>
        %add3A_198 = arith.addi %add3A_197, %iota3A : vector<16xi32>
        %select_n3A_199 = arith.select %and3A_184, %sub3A_195, %add3A_198 : vector<16xi1>, vector<16xi32>
        %mul3A_200 = arith.constant 16 : i32
        %mul3A_201 = arith.muli %scan3A_173, %mul3A_200 : i32
        %add3A_202 = vector.broadcast %mul3A_201 : i32 to vector<16xi32>
        %add3A_203 = arith.addi %iota3A, %add3A_202 : vector<16xi32>
        tpu.vector_store_idx %arg19[%select_n3A_199], %add3A_203 : memref<4112xi32, #tpu.memory_space<vmem>>[vector<16xi32>], vector<16xi32>,
        %slice3A = vector.extract_strided_slice %masked_cumsum3A {offsets = [15], sizes = [1], strides = [1]} : vector<16xi32> to vector<1xi32>
        %squeeze3A = vector.extract %slice3A[0] : i32 from vector<1xi32>
        %add3A_204 = arith.addi %scan3A_174, %squeeze3A : i32
        scf.yield %add3A_204 : i32
      }
      %scan3A_159 = arith.constant 256 : i32
      %while3A_160 = arith.constant 0 : i32
      %while3A_161 = arith.constant 0 : i32
      %while3A_162 = arith.subi %scan3A_158, %while3A_160 : i32
      %while3A_163 = arith.addi %while3A_160, %while3A_162 : i32
      %while3A_164 = arith.constant 1 : i32
      %while3A_165 = arith.divsi %while3A_162, %while3A_164 : i32
      %while3A_166 = arith.muli %while3A_165, %while3A_164 : i32
      %while3A_167 = arith.addi %while3A_160, %while3A_166 : i32
      %while3A_168 = arith.constant 1 : i32
      %while3A_169 = scf.for %while3A_173 = %while3A_160 to %while3A_167 step %while3A_168 iter_args(%while3A_174 = %while3A_161) -> (i32)  : i32 {
        %iota3A = tpu.iota {dimensions = array<i32: 0>} : vector<16xi32>
        %jit3A_175 = arith.constant 3 : i32
        %div3A_176 = vector.broadcast %jit3A_175 : i32 to vector<16xi32>
        %div3A_177 = arith.divsi %iota3A, %div3A_176 : vector<16xi32>
        %sign3A_178 = arith.constant 0 : i32
        %sign3A_179 = vector.broadcast %sign3A_178 : i32 to vector<16xi32>
        %sign3A_180 = arith.cmpi sgt, %iota3A, %sign3A_179 : vector<16xi32>
        %sign3A_181 = arith.extui %sign3A_180 : vector<16xi1> to vector<16xi32>
        %sign3A_182 = arith.constant 0 : i32
        %sign3A_183 = vector.broadcast %sign3A_182 : i32 to vector<16xi32>
        %sign3A_184 = arith.cmpi slt, %iota3A, %sign3A_183 : vector<16xi32>
        %sign3A_185 = arith.extui %sign3A_184 : vector<16xi1> to vector<16xi32>
        %sign3A_186 = arith.subi %sign3A_181, %sign3A_185 : vector<16xi32>
        %sign3A_187 = arith.constant 0 : i32
        %sign3A_188 = arith.cmpi sgt, %jit3A_175, %sign3A_187 : i32
        %sign3A_189 = arith.extui %sign3A_188 : i1 to i32
        %sign3A_190 = arith.constant 0 : i32
        %sign3A_191 = arith.cmpi slt, %jit3A_175, %sign3A_190 : i32
        %sign3A_192 = arith.extui %sign3A_191 : i1 to i32
        %sign3A_193 = arith.subi %sign3A_189, %sign3A_192 : i32
        %ne3A_194 = vector.broadcast %sign3A_193 : i32 to vector<16xi32>
        %ne3A_195 = arith.cmpi ne, %sign3A_186, %ne3A_194 : vector<16xi32>
        %rem3A_196 = vector.broadcast %jit3A_175 : i32 to vector<16xi32>
        %rem3A_197 = arith.remsi %iota3A, %rem3A_196 : vector<16xi32>
        %ne3A_198 = arith.constant 0 : i32
        %ne3A_199 = vector.broadcast %ne3A_198 : i32 to vector<16xi32>
        %ne3A_200 = arith.cmpi ne, %rem3A_197, %ne3A_199 : vector<16xi32>
        %and3A_201 = arith.andi %ne3A_195, %ne3A_200 : vector<16xi1>
        %sub3A_202 = arith.constant 1 : i32
        %sub3A_203 = vector.broadcast %sub3A_202 : i32 to vector<16xi32>
        %sub3A_204 = arith.subi %div3A_177, %sub3A_203 : vector<16xi32>
        %select_n3A_205 = arith.select %and3A_201, %sub3A_204, %div3A_177 : vector<16xi1>, vector<16xi32>
        %sub3A_206 = arith.constant 1 : i32
        %sub3A_207 = vector.broadcast %sub3A_206 : i32 to vector<16xi32>
        %sub3A_208 = arith.subi %select_n3A_205, %sub3A_207 : vector<16xi32>
        %jit3A_209 = arith.constant 3 : i32
        %eq3A_210 = arith.constant 0 : i32
        %eq3A_211 = arith.cmpi eq, %jit3A_209, %eq3A_210 : i32
        %jit3A_212 = arith.constant 1 : i32
        %select_n3A_213 = arith.select %eq3A_211, %jit3A_212, %jit3A_209 : i32
        %rem3A_214 = vector.broadcast %select_n3A_213 : i32 to vector<16xi32>
        %rem3A_215 = arith.remsi %iota3A, %rem3A_214 : vector<16xi32>
        %ne3A_216 = arith.constant 0 : i32
        %ne3A_217 = vector.broadcast %ne3A_216 : i32 to vector<16xi32>
        %ne3A_218 = arith.cmpi ne, %rem3A_215, %ne3A_217 : vector<16xi32>
        %lt3A_219 = arith.constant 0 : i32
        %lt3A_220 = vector.broadcast %lt3A_219 : i32 to vector<16xi32>
        %lt3A_221 = arith.cmpi slt, %rem3A_215, %lt3A_220 : vector<16xi32>
        %lt3A_222 = arith.constant 0 : i32
        %lt3A_223 = arith.cmpi slt, %select_n3A_213, %lt3A_222 : i32
        %ne3A_224 = vector.broadcast %lt3A_223 : i1 to vector<16xi1>
        %ne3A_225 = vector.broadcast %ne3A_224 : vector<16xi1> to vector<16xi1>
        %ne3A_226 = arith.xori %lt3A_221, %ne3A_225 : vector<16xi1>
        %and3A_227 = arith.andi %ne3A_226, %ne3A_218 : vector<16xi1>
        %add3A_228 = vector.broadcast %select_n3A_213 : i32 to vector<16xi32>
        %add3A_229 = arith.addi %rem3A_215, %add3A_228 : vector<16xi32>
        %select_n3A_230 = arith.select %and3A_227, %add3A_229, %rem3A_215 : vector<16xi1>, vector<16xi32>
        %sub3A_231 = arith.constant 1 : i32
        %sub3A_232 = vector.broadcast %sub3A_231 : i32 to vector<16xi32>
        %sub3A_233 = arith.subi %select_n3A_230, %sub3A_232 : vector<16xi32>
        %broadcast_in_dim3A = vector.broadcast %while3A_173 : i32 to vector<16xi32>
        %gather3A = tpu.vector_load_idx %arg19[%broadcast_in_dim3A] : memref<4112xi32, #tpu.memory_space<vmem>>[vector<16xi32>], vector<16xi32>,
        %gather3A_234 = tpu.vector_load_idx %arg10[%gather3A] : memref<4096xi32, #tpu.memory_space<vmem>>[vector<16xi32>], vector<16xi32>,
        %gather3A_235 = tpu.vector_load_idx %arg12[%gather3A] : memref<4096xi32, #tpu.memory_space<vmem>>[vector<16xi32>], vector<16xi32>,
        %gather3A_236 = tpu.vector_load_idx %arg14[%gather3A] : memref<4096xf32, #tpu.memory_space<vmem>>[vector<16xi32>], vector<16xf32>,
        %gather3A_237 = tpu.vector_load_idx %arg16[%gather3A] : memref<4096xf32, #tpu.memory_space<vmem>>[vector<16xi32>], vector<16xf32>,
        %gather3A_238 = tpu.vector_load_idx %arg18[%gather3A] : memref<4096xf32, #tpu.memory_space<vmem>>[vector<16xi32>], vector<16xf32>,
        %add3A_239 = vector.broadcast %add3A_152 : i32 to vector<16xi32>
        %add3A_240 = arith.addi %gather3A, %add3A_239 : vector<16xi32>
        %add3A_241 = arith.addi %gather3A_234, %sub3A_208 : vector<16xi32>
        %add3A_242 = arith.addi %gather3A_235, %sub3A_233 : vector<16xi32>
        %convert_element_type3A_243 = arith.sitofp %add3A_242 : vector<16xi32> to vector<16xf32>
        %mul3A_244 = arith.constant 2.000000e+00 : f32
        %mul3A_245 = vector.broadcast %mul3A_244 : f32 to vector<16xf32>
        %mul3A_246 = arith.mulf %mul3A_245, %convert_element_type3A_243 : vector<16xf32>
        %add3A_247 = arith.constant 1.000000e+00 : f32
        %add3A_248 = vector.broadcast %add3A_247 : f32 to vector<16xf32>
        %add3A_249 = arith.addf %mul3A_246, %add3A_248 : vector<16xf32>
        %div3A_250 = arith.constant 2.560000e+02 : f32
        %div3A_251 = vector.broadcast %div3A_250 : f32 to vector<16xf32>
        %div3A_252 = arith.divf %add3A_249, %div3A_251 : vector<16xf32>
        %sub3A_253 = arith.constant 1.000000e+00 : f32
        %sub3A_254 = vector.broadcast %sub3A_253 : f32 to vector<16xf32>
        %sub3A_255 = arith.subf %sub3A_254, %div3A_252 : vector<16xf32>
        %convert_element_type3A_256 = arith.sitofp %add3A_241 : vector<16xi32> to vector<16xf32>
        %mul3A_257 = arith.constant 2.000000e+00 : f32
        %mul3A_258 = vector.broadcast %mul3A_257 : f32 to vector<16xf32>
        %mul3A_259 = arith.mulf %mul3A_258, %convert_element_type3A_256 : vector<16xf32>
        %add3A_260 = arith.constant 1.000000e+00 : f32
        %add3A_261 = vector.broadcast %add3A_260 : f32 to vector<16xf32>
        %add3A_262 = arith.addf %mul3A_259, %add3A_261 : vector<16xf32>
        %div3A_263 = arith.constant 2.560000e+02 : f32
        %div3A_264 = vector.broadcast %div3A_263 : f32 to vector<16xf32>
        %div3A_265 = arith.divf %add3A_262, %div3A_264 : vector<16xf32>
        %sub3A_266 = arith.constant 1.000000e+00 : f32
        %sub3A_267 = vector.broadcast %sub3A_266 : f32 to vector<16xf32>
        %sub3A_268 = arith.subf %sub3A_267, %div3A_265 : vector<16xf32>
        %sub3A_269 = arith.subf %sub3A_255, %gather3A_236 : vector<16xf32>
        %sub3A_270 = arith.subf %sub3A_268, %gather3A_237 : vector<16xf32>
        %mul3A_271 = arith.mulf %sub3A_269, %sub3A_269 : vector<16xf32>
        %mul3A_272 = arith.mulf %sub3A_270, %sub3A_270 : vector<16xf32>
        %add3A_273 = arith.addf %mul3A_271, %mul3A_272 : vector<16xf32>
        %ge3A = vector.broadcast %mul3A_32 : i32 to vector<16xi32>
        %ge3A_274 = arith.cmpi sge, %add3A_241, %ge3A : vector<16xi32>
        %add3A_275 = arith.constant 16 : i32
        %add3A_276 = arith.addi %mul3A_32, %add3A_275 : i32
        %lt3A_277 = vector.broadcast %add3A_276 : i32 to vector<16xi32>
        %lt3A_278 = arith.cmpi slt, %add3A_241, %lt3A_277 : vector<16xi32>
        %and3A_279 = arith.andi %ge3A_274, %lt3A_278 : vector<16xi1>
        %ge3A_280 = arith.constant 0 : i32
        %ge3A_281 = vector.broadcast %ge3A_280 : i32 to vector<16xi32>
        %ge3A_282 = arith.cmpi sge, %add3A_242, %ge3A_281 : vector<16xi32>
        %and3A_283 = arith.andi %and3A_279, %ge3A_282 : vector<16xi1>
        %lt3A_284 = arith.constant 256 : i32
        %lt3A_285 = vector.broadcast %lt3A_284 : i32 to vector<16xi32>
        %lt3A_286 = arith.cmpi slt, %add3A_242, %lt3A_285 : vector<16xi32>
        %and3A_287 = arith.andi %and3A_283, %lt3A_286 : vector<16xi1>
        %le3A = arith.constant 1.37329102E-4 : f32
        %le3A_288 = vector.broadcast %le3A : f32 to vector<16xf32>
        %le3A_289 = arith.cmpf ole, %add3A_273, %le3A_288 : vector<16xf32>
        %and3A_290 = arith.andi %and3A_287, %le3A_289 : vector<16xi1>
        %sub3A_291 = vector.broadcast %mul3A_32 : i32 to vector<16xi32>
        %sub3A_292 = arith.subi %add3A_241, %sub3A_291 : vector<16xi32>
        %mul3A_293 = arith.constant 256 : i32
        %mul3A_294 = vector.broadcast %mul3A_293 : i32 to vector<16xi32>
        %mul3A_295 = arith.muli %sub3A_292, %mul3A_294 : vector<16xi32>
        %add3A_296 = arith.addi %mul3A_295, %add3A_242 : vector<16xi32>
        %jit3A_297 = arith.constant 0 : i32
        %jit3A_298 = arith.constant 4095 : i32
        %max3A = vector.broadcast %jit3A_297 : i32 to vector<16xi32>
        %max3A_299 = arith.maxsi %max3A, %add3A_296 : vector<16xi32>
        %min3A = vector.broadcast %jit3A_298 : i32 to vector<16xi32>
        %min3A_300 = arith.minsi %min3A, %max3A_299 : vector<16xi32>
        %gather3A_301 = tpu.vector_load_idx %arg22[%min3A_300] : memref<4112xf32, #tpu.memory_space<vmem>>[vector<16xi32>], vector<16xf32>,
        %gather3A_302 = tpu.vector_load_idx %arg23[%min3A_300] : memref<4112xi32, #tpu.memory_space<vmem>>[vector<16xi32>], vector<16xi32>,
        %lt3A_303 = arith.cmpf olt, %gather3A_238, %gather3A_301 : vector<16xf32>
        %eq3A_304 = arith.cmpf oeq, %gather3A_238, %gather3A_301 : vector<16xf32>
        %gt3A = arith.cmpi sgt, %add3A_240, %gather3A_302 : vector<16xi32>
        %and3A_305 = arith.andi %eq3A_304, %gt3A : vector<16xi1>
        %or3A = arith.ori %lt3A_303, %and3A_305 : vector<16xi1>
        %and3A_306 = arith.andi %and3A_290, %or3A : vector<16xi1>
        %add3A_307 = arith.constant 4096 : i32
        %add3A_308 = vector.broadcast %add3A_307 : i32 to vector<16xi32>
        %add3A_309 = arith.addi %add3A_308, %iota3A : vector<16xi32>
        %select_n3A_310 = arith.select %and3A_306, %min3A_300, %add3A_309 : vector<16xi1>, vector<16xi32>
        tpu.vector_store_idx %arg22[%select_n3A_310], %gather3A_238 : memref<4112xf32, #tpu.memory_space<vmem>>[vector<16xi32>], vector<16xf32>,
        tpu.vector_store_idx %arg23[%select_n3A_310], %add3A_240 : memref<4112xi32, #tpu.memory_space<vmem>>[vector<16xi32>], vector<16xi32>,
        tpu.vector_store_idx %arg24[%select_n3A_310], %add3A_273 : memref<4112xf32, #tpu.memory_space<vmem>>[vector<16xi32>], vector<16xf32>,
        %while3A_311 = arith.constant 0 : i32
        scf.yield %while3A_311 : i32
      }
      %while3A_170 = arith.constant 1 : i32
      %while3A_171 = scf.for %while3A_173 = %while3A_167 to %while3A_163 step %while3A_170 iter_args(%while3A_174 = %while3A_169) -> (i32)  : i32 {
        %iota3A = tpu.iota {dimensions = array<i32: 0>} : vector<16xi32>
        %jit3A_175 = arith.constant 3 : i32
        %div3A_176 = vector.broadcast %jit3A_175 : i32 to vector<16xi32>
        %div3A_177 = arith.divsi %iota3A, %div3A_176 : vector<16xi32>
        %sign3A_178 = arith.constant 0 : i32
        %sign3A_179 = vector.broadcast %sign3A_178 : i32 to vector<16xi32>
        %sign3A_180 = arith.cmpi sgt, %iota3A, %sign3A_179 : vector<16xi32>
        %sign3A_181 = arith.extui %sign3A_180 : vector<16xi1> to vector<16xi32>
        %sign3A_182 = arith.constant 0 : i32
        %sign3A_183 = vector.broadcast %sign3A_182 : i32 to vector<16xi32>
        %sign3A_184 = arith.cmpi slt, %iota3A, %sign3A_183 : vector<16xi32>
        %sign3A_185 = arith.extui %sign3A_184 : vector<16xi1> to vector<16xi32>
        %sign3A_186 = arith.subi %sign3A_181, %sign3A_185 : vector<16xi32>
        %sign3A_187 = arith.constant 0 : i32
        %sign3A_188 = arith.cmpi sgt, %jit3A_175, %sign3A_187 : i32
        %sign3A_189 = arith.extui %sign3A_188 : i1 to i32
        %sign3A_190 = arith.constant 0 : i32
        %sign3A_191 = arith.cmpi slt, %jit3A_175, %sign3A_190 : i32
        %sign3A_192 = arith.extui %sign3A_191 : i1 to i32
        %sign3A_193 = arith.subi %sign3A_189, %sign3A_192 : i32
        %ne3A_194 = vector.broadcast %sign3A_193 : i32 to vector<16xi32>
        %ne3A_195 = arith.cmpi ne, %sign3A_186, %ne3A_194 : vector<16xi32>
        %rem3A_196 = vector.broadcast %jit3A_175 : i32 to vector<16xi32>
        %rem3A_197 = arith.remsi %iota3A, %rem3A_196 : vector<16xi32>
        %ne3A_198 = arith.constant 0 : i32
        %ne3A_199 = vector.broadcast %ne3A_198 : i32 to vector<16xi32>
        %ne3A_200 = arith.cmpi ne, %rem3A_197, %ne3A_199 : vector<16xi32>
        %and3A_201 = arith.andi %ne3A_195, %ne3A_200 : vector<16xi1>
        %sub3A_202 = arith.constant 1 : i32
        %sub3A_203 = vector.broadcast %sub3A_202 : i32 to vector<16xi32>
        %sub3A_204 = arith.subi %div3A_177, %sub3A_203 : vector<16xi32>
        %select_n3A_205 = arith.select %and3A_201, %sub3A_204, %div3A_177 : vector<16xi1>, vector<16xi32>
        %sub3A_206 = arith.constant 1 : i32
        %sub3A_207 = vector.broadcast %sub3A_206 : i32 to vector<16xi32>
        %sub3A_208 = arith.subi %select_n3A_205, %sub3A_207 : vector<16xi32>
        %jit3A_209 = arith.constant 3 : i32
        %eq3A_210 = arith.constant 0 : i32
        %eq3A_211 = arith.cmpi eq, %jit3A_209, %eq3A_210 : i32
        %jit3A_212 = arith.constant 1 : i32
        %select_n3A_213 = arith.select %eq3A_211, %jit3A_212, %jit3A_209 : i32
        %rem3A_214 = vector.broadcast %select_n3A_213 : i32 to vector<16xi32>
        %rem3A_215 = arith.remsi %iota3A, %rem3A_214 : vector<16xi32>
        %ne3A_216 = arith.constant 0 : i32
        %ne3A_217 = vector.broadcast %ne3A_216 : i32 to vector<16xi32>
        %ne3A_218 = arith.cmpi ne, %rem3A_215, %ne3A_217 : vector<16xi32>
        %lt3A_219 = arith.constant 0 : i32
        %lt3A_220 = vector.broadcast %lt3A_219 : i32 to vector<16xi32>
        %lt3A_221 = arith.cmpi slt, %rem3A_215, %lt3A_220 : vector<16xi32>
        %lt3A_222 = arith.constant 0 : i32
        %lt3A_223 = arith.cmpi slt, %select_n3A_213, %lt3A_222 : i32
        %ne3A_224 = vector.broadcast %lt3A_223 : i1 to vector<16xi1>
        %ne3A_225 = vector.broadcast %ne3A_224 : vector<16xi1> to vector<16xi1>
        %ne3A_226 = arith.xori %lt3A_221, %ne3A_225 : vector<16xi1>
        %and3A_227 = arith.andi %ne3A_226, %ne3A_218 : vector<16xi1>
        %add3A_228 = vector.broadcast %select_n3A_213 : i32 to vector<16xi32>
        %add3A_229 = arith.addi %rem3A_215, %add3A_228 : vector<16xi32>
        %select_n3A_230 = arith.select %and3A_227, %add3A_229, %rem3A_215 : vector<16xi1>, vector<16xi32>
        %sub3A_231 = arith.constant 1 : i32
        %sub3A_232 = vector.broadcast %sub3A_231 : i32 to vector<16xi32>
        %sub3A_233 = arith.subi %select_n3A_230, %sub3A_232 : vector<16xi32>
        %broadcast_in_dim3A = vector.broadcast %while3A_173 : i32 to vector<16xi32>
        %gather3A = tpu.vector_load_idx %arg19[%broadcast_in_dim3A] : memref<4112xi32, #tpu.memory_space<vmem>>[vector<16xi32>], vector<16xi32>,
        %gather3A_234 = tpu.vector_load_idx %arg10[%gather3A] : memref<4096xi32, #tpu.memory_space<vmem>>[vector<16xi32>], vector<16xi32>,
        %gather3A_235 = tpu.vector_load_idx %arg12[%gather3A] : memref<4096xi32, #tpu.memory_space<vmem>>[vector<16xi32>], vector<16xi32>,
        %gather3A_236 = tpu.vector_load_idx %arg14[%gather3A] : memref<4096xf32, #tpu.memory_space<vmem>>[vector<16xi32>], vector<16xf32>,
        %gather3A_237 = tpu.vector_load_idx %arg16[%gather3A] : memref<4096xf32, #tpu.memory_space<vmem>>[vector<16xi32>], vector<16xf32>,
        %gather3A_238 = tpu.vector_load_idx %arg18[%gather3A] : memref<4096xf32, #tpu.memory_space<vmem>>[vector<16xi32>], vector<16xf32>,
        %add3A_239 = vector.broadcast %add3A_152 : i32 to vector<16xi32>
        %add3A_240 = arith.addi %gather3A, %add3A_239 : vector<16xi32>
        %add3A_241 = arith.addi %gather3A_234, %sub3A_208 : vector<16xi32>
        %add3A_242 = arith.addi %gather3A_235, %sub3A_233 : vector<16xi32>
        %convert_element_type3A_243 = arith.sitofp %add3A_242 : vector<16xi32> to vector<16xf32>
        %mul3A_244 = arith.constant 2.000000e+00 : f32
        %mul3A_245 = vector.broadcast %mul3A_244 : f32 to vector<16xf32>
        %mul3A_246 = arith.mulf %mul3A_245, %convert_element_type3A_243 : vector<16xf32>
        %add3A_247 = arith.constant 1.000000e+00 : f32
        %add3A_248 = vector.broadcast %add3A_247 : f32 to vector<16xf32>
        %add3A_249 = arith.addf %mul3A_246, %add3A_248 : vector<16xf32>
        %div3A_250 = arith.constant 2.560000e+02 : f32
        %div3A_251 = vector.broadcast %div3A_250 : f32 to vector<16xf32>
        %div3A_252 = arith.divf %add3A_249, %div3A_251 : vector<16xf32>
        %sub3A_253 = arith.constant 1.000000e+00 : f32
        %sub3A_254 = vector.broadcast %sub3A_253 : f32 to vector<16xf32>
        %sub3A_255 = arith.subf %sub3A_254, %div3A_252 : vector<16xf32>
        %convert_element_type3A_256 = arith.sitofp %add3A_241 : vector<16xi32> to vector<16xf32>
        %mul3A_257 = arith.constant 2.000000e+00 : f32
        %mul3A_258 = vector.broadcast %mul3A_257 : f32 to vector<16xf32>
        %mul3A_259 = arith.mulf %mul3A_258, %convert_element_type3A_256 : vector<16xf32>
        %add3A_260 = arith.constant 1.000000e+00 : f32
        %add3A_261 = vector.broadcast %add3A_260 : f32 to vector<16xf32>
        %add3A_262 = arith.addf %mul3A_259, %add3A_261 : vector<16xf32>
        %div3A_263 = arith.constant 2.560000e+02 : f32
        %div3A_264 = vector.broadcast %div3A_263 : f32 to vector<16xf32>
        %div3A_265 = arith.divf %add3A_262, %div3A_264 : vector<16xf32>
        %sub3A_266 = arith.constant 1.000000e+00 : f32
        %sub3A_267 = vector.broadcast %sub3A_266 : f32 to vector<16xf32>
        %sub3A_268 = arith.subf %sub3A_267, %div3A_265 : vector<16xf32>
        %sub3A_269 = arith.subf %sub3A_255, %gather3A_236 : vector<16xf32>
        %sub3A_270 = arith.subf %sub3A_268, %gather3A_237 : vector<16xf32>
        %mul3A_271 = arith.mulf %sub3A_269, %sub3A_269 : vector<16xf32>
        %mul3A_272 = arith.mulf %sub3A_270, %sub3A_270 : vector<16xf32>
        %add3A_273 = arith.addf %mul3A_271, %mul3A_272 : vector<16xf32>
        %ge3A = vector.broadcast %mul3A_32 : i32 to vector<16xi32>
        %ge3A_274 = arith.cmpi sge, %add3A_241, %ge3A : vector<16xi32>
        %add3A_275 = arith.constant 16 : i32
        %add3A_276 = arith.addi %mul3A_32, %add3A_275 : i32
        %lt3A_277 = vector.broadcast %add3A_276 : i32 to vector<16xi32>
        %lt3A_278 = arith.cmpi slt, %add3A_241, %lt3A_277 : vector<16xi32>
        %and3A_279 = arith.andi %ge3A_274, %lt3A_278 : vector<16xi1>
        %ge3A_280 = arith.constant 0 : i32
        %ge3A_281 = vector.broadcast %ge3A_280 : i32 to vector<16xi32>
        %ge3A_282 = arith.cmpi sge, %add3A_242, %ge3A_281 : vector<16xi32>
        %and3A_283 = arith.andi %and3A_279, %ge3A_282 : vector<16xi1>
        %lt3A_284 = arith.constant 256 : i32
        %lt3A_285 = vector.broadcast %lt3A_284 : i32 to vector<16xi32>
        %lt3A_286 = arith.cmpi slt, %add3A_242, %lt3A_285 : vector<16xi32>
        %and3A_287 = arith.andi %and3A_283, %lt3A_286 : vector<16xi1>
        %le3A = arith.constant 1.37329102E-4 : f32
        %le3A_288 = vector.broadcast %le3A : f32 to vector<16xf32>
        %le3A_289 = arith.cmpf ole, %add3A_273, %le3A_288 : vector<16xf32>
        %and3A_290 = arith.andi %and3A_287, %le3A_289 : vector<16xi1>
        %sub3A_291 = vector.broadcast %mul3A_32 : i32 to vector<16xi32>
        %sub3A_292 = arith.subi %add3A_241, %sub3A_291 : vector<16xi32>
        %mul3A_293 = arith.constant 256 : i32
        %mul3A_294 = vector.broadcast %mul3A_293 : i32 to vector<16xi32>
        %mul3A_295 = arith.muli %sub3A_292, %mul3A_294 : vector<16xi32>
        %add3A_296 = arith.addi %mul3A_295, %add3A_242 : vector<16xi32>
        %jit3A_297 = arith.constant 0 : i32
        %jit3A_298 = arith.constant 4095 : i32
        %max3A = vector.broadcast %jit3A_297 : i32 to vector<16xi32>
        %max3A_299 = arith.maxsi %max3A, %add3A_296 : vector<16xi32>
        %min3A = vector.broadcast %jit3A_298 : i32 to vector<16xi32>
        %min3A_300 = arith.minsi %min3A, %max3A_299 : vector<16xi32>
        %gather3A_301 = tpu.vector_load_idx %arg22[%min3A_300] : memref<4112xf32, #tpu.memory_space<vmem>>[vector<16xi32>], vector<16xf32>,
        %gather3A_302 = tpu.vector_load_idx %arg23[%min3A_300] : memref<4112xi32, #tpu.memory_space<vmem>>[vector<16xi32>], vector<16xi32>,
        %lt3A_303 = arith.cmpf olt, %gather3A_238, %gather3A_301 : vector<16xf32>
        %eq3A_304 = arith.cmpf oeq, %gather3A_238, %gather3A_301 : vector<16xf32>
        %gt3A = arith.cmpi sgt, %add3A_240, %gather3A_302 : vector<16xi32>
        %and3A_305 = arith.andi %eq3A_304, %gt3A : vector<16xi1>
        %or3A = arith.ori %lt3A_303, %and3A_305 : vector<16xi1>
        %and3A_306 = arith.andi %and3A_290, %or3A : vector<16xi1>
        %add3A_307 = arith.constant 4096 : i32
        %add3A_308 = vector.broadcast %add3A_307 : i32 to vector<16xi32>
        %add3A_309 = arith.addi %add3A_308, %iota3A : vector<16xi32>
        %select_n3A_310 = arith.select %and3A_306, %min3A_300, %add3A_309 : vector<16xi1>, vector<16xi32>
        tpu.vector_store_idx %arg22[%select_n3A_310], %gather3A_238 : memref<4112xf32, #tpu.memory_space<vmem>>[vector<16xi32>], vector<16xf32>,
        tpu.vector_store_idx %arg23[%select_n3A_310], %add3A_240 : memref<4112xi32, #tpu.memory_space<vmem>>[vector<16xi32>], vector<16xi32>,
        tpu.vector_store_idx %arg24[%select_n3A_310], %add3A_273 : memref<4112xf32, #tpu.memory_space<vmem>>[vector<16xi32>], vector<16xf32>,
        %while3A_311 = arith.constant 0 : i32
        scf.yield %while3A_311 : i32
      }
      %scan3A_172 = arith.constant 0 : i32
      scf.yield %scan3A_172 : i32
    }
    %scan3A_60 = arith.constant 8 : i32
    %scan3A_61 = arith.constant 0 : i32
    %scan3A_62 = arith.constant 0 : i32
    %scan3A_63 = arith.constant 256 : i32
    %scan3A_64 = arith.addi %scan3A_62, %scan3A_63 : i32
    %scan3A_65 = arith.constant 1 : i32
    %scan3A_66 = scf.for %scan3A_80 = %scan3A_62 to %scan3A_64 step %scan3A_65 iter_args(%scan3A_81 = %scan3A_61) -> (i32)  : i32 {
      %mul3A_82 = arith.constant 16 : i32
      %mul3A_83 = arith.muli %scan3A_80, %mul3A_82 : i32
      %get3A = arith.index_cast %mul3A_83 : i32 to index
      %get3A_84 = tpu.vector_load %arg23[%get3A] {strides = array<i32>} : memref<4112xi32, #tpu.memory_space<vmem>>, vector<16xi32>,
      %get3A_85 = arith.index_cast %mul3A_83 : i32 to index
      %get3A_86 = tpu.vector_load %arg24[%get3A_85] {strides = array<i32>} : memref<4112xf32, #tpu.memory_space<vmem>>, vector<16xf32>,
      %ge3A = arith.constant 0 : i32
      %ge3A_87 = vector.broadcast %ge3A : i32 to vector<16xi32>
      %ge3A_88 = arith.cmpi sge, %get3A_84, %ge3A_87 : vector<16xi32>
      %div3A_89 = arith.constant 1.37329102E-4 : f32
      %div3A_90 = vector.broadcast %div3A_89 : f32 to vector<16xf32>
      %div3A_91 = arith.divf %get3A_86, %div3A_90 : vector<16xf32>
      %jit3A_92 = arith.constant 1.000000e-03 : f32
      %jit3A_93 = arith.constant 1.000000e+00 : f32
      %max3A = vector.broadcast %jit3A_92 : f32 to vector<16xf32>
      %max3A_94 = arith.maximumf %max3A, %div3A_91 : vector<16xf32>
      %min3A = vector.broadcast %jit3A_93 : f32 to vector<16xf32>
      %min3A_95 = arith.minimumf %min3A, %max3A_94 : vector<16xf32>
      %bitcast_convert_type3A = tpu.bitcast %min3A_95 : vector<16xf32> -> vector<16xi32>
      %shift_right_logical3A = arith.constant 1 : i32
      %shift_right_logical3A_96 = vector.broadcast %shift_right_logical3A : i32 to vector<16xi32>
      %shift_right_logical3A_97 = arith.shrui %bitcast_convert_type3A, %shift_right_logical3A_96 : vector<16xi32>
      %add3A_98 = arith.constant 532487669 : i32
      %add3A_99 = vector.broadcast %add3A_98 : i32 to vector<16xi32>
      %add3A_100 = arith.addi %shift_right_logical3A_97, %add3A_99 : vector<16xi32>
      %bitcast_convert_type3A_101 = tpu.bitcast %add3A_100 : vector<16xi32> -> vector<16xf32>
      %div3A_102 = arith.divf %min3A_95, %bitcast_convert_type3A_101 : vector<16xf32>
      %add3A_103 = arith.addf %bitcast_convert_type3A_101, %div3A_102 : vector<16xf32>
      %mul3A_104 = arith.constant 5.000000e-01 : f32
      %mul3A_105 = vector.broadcast %mul3A_104 : f32 to vector<16xf32>
      %mul3A_106 = arith.mulf %mul3A_105, %add3A_103 : vector<16xf32>
      %div3A_107 = arith.divf %min3A_95, %mul3A_106 : vector<16xf32>
      %add3A_108 = arith.addf %mul3A_106, %div3A_107 : vector<16xf32>
      %mul3A_109 = arith.constant 5.000000e-01 : f32
      %mul3A_110 = vector.broadcast %mul3A_109 : f32 to vector<16xf32>
      %mul3A_111 = arith.mulf %mul3A_110, %add3A_108 : vector<16xf32>
      %div3A_112 = arith.divf %min3A_95, %mul3A_111 : vector<16xf32>
      %add3A_113 = arith.addf %mul3A_111, %div3A_112 : vector<16xf32>
      %mul3A_114 = arith.constant 5.000000e-01 : f32
      %mul3A_115 = vector.broadcast %mul3A_114 : f32 to vector<16xf32>
      %mul3A_116 = arith.mulf %mul3A_115, %add3A_113 : vector<16xf32>
      %sub3A_117 = arith.constant 1.000000e+00 : f32
      %sub3A_118 = vector.broadcast %sub3A_117 : f32 to vector<16xf32>
      %sub3A_119 = arith.subf %sub3A_118, %mul3A_116 : vector<16xf32>
      %jit3A_120 = arith.constant 0.000000e+00 : f32
      %broadcast_in_dim3A = vector.broadcast %jit3A_120 : f32 to vector<16xf32>
      %select_n3A_121 = arith.select %ge3A_88, %sub3A_119, %broadcast_in_dim3A : vector<16xi1>, vector<16xf32>
      %swap3A = arith.index_cast %mul3A_83 : i32 to index
      %swap3A_122 = tpu.vector_load %arg25[%swap3A] {strides = array<i32>} : memref<4096xf32, #tpu.memory_space<vmem>>, vector<16xf32>,
      tpu.vector_store %arg25[%swap3A], %select_n3A_121 {strides = array<i32>} : memref<4096xf32, #tpu.memory_space<vmem>>, vector<16xf32>,
      %max3A_123 = arith.constant 0 : i32
      %max3A_124 = vector.broadcast %max3A_123 : i32 to vector<16xi32>
      %max3A_125 = arith.maxsi %get3A_84, %max3A_124 : vector<16xi32>
      %swap3A_126 = arith.index_cast %mul3A_83 : i32 to index
      %swap3A_127 = tpu.vector_load %arg23[%swap3A_126] {strides = array<i32>} : memref<4112xi32, #tpu.memory_space<vmem>>, vector<16xi32>,
      tpu.vector_store %arg23[%swap3A_126], %max3A_125 {strides = array<i32>} : memref<4112xi32, #tpu.memory_space<vmem>>, vector<16xi32>,
      %scan3A_128 = arith.constant 0 : i32
      scf.yield %scan3A_128 : i32
    }
    %scan3A_67 = arith.constant 256 : i32
    %dma_start3A_68 = arith.constant 0 : i32
    %dma_start3A_69 = tpu.memref_slice %arg23[%dma_start3A_68] : memref<4112xi32, #tpu.memory_space<vmem>> -> memref<128xi32, #tpu.memory_space<vmem>>
    %dma_start3A_70 = arith.constant 0 : i32
    %dma_start3A_71 = arith.constant 0 : i32
    %dma_start3A_72 = tpu.memref_slice %arg7[%dma_start3A_70, %dma_start3A_71] : memref<131072x64xf32, #tpu.memory_space<hbm>> -> memref<131072x64xf32, #tpu.memory_space<hbm>>
    tpu.enqueue_indirect_dma source(%dma_start3A_72 : memref<131072x64xf32, #tpu.memory_space<hbm>>) target(%arg26 : memref<128x64xf32, #tpu.memory_space<vmem>>) offsets(%dma_start3A_69 : memref<128xi32, #tpu.memory_space<vmem>>) semaphore(%arg29 : memref<!tpu.dma_semaphore, #tpu.memory_space<semaphore_mem>>)
    %scan3A_73 = arith.constant 0 : i32
    %scan3A_74 = arith.constant 0 : i32
    %scan3A_75 = arith.constant 16 : i32
    %scan3A_76 = arith.addi %scan3A_74, %scan3A_75 : i32
    %scan3A_77 = arith.constant 1 : i32
    %scan3A_78 = scf.for %scan3A_80 = %scan3A_74 to %scan3A_76 step %scan3A_77 iter_args(%scan3A_81 = %scan3A_73) -> (i32)  : i32 {
      %mul3A_82 = arith.constant 2 : i32
      %mul3A_83 = arith.muli %mul3A_82, %scan3A_80 : i32
      %mul3A_84 = arith.constant 2 : i32
      %mul3A_85 = arith.muli %mul3A_84, %scan3A_80 : i32
      %add3A_86 = arith.constant 1 : i32
      %add3A_87 = arith.addi %mul3A_85, %add3A_86 : i32
      %mul3A_88 = arith.constant 128 : i32
      %mul3A_89 = arith.muli %add3A_87, %mul3A_88 : i32
      %dma_start3A_90 = tpu.memref_slice %arg23[%mul3A_89] : memref<4112xi32, #tpu.memory_space<vmem>> -> memref<128xi32, #tpu.memory_space<vmem>>
      %dma_start3A_91 = arith.constant 0 : i32
      %dma_start3A_92 = arith.constant 0 : i32
      %dma_start3A_93 = tpu.memref_slice %arg7[%dma_start3A_91, %dma_start3A_92] : memref<131072x64xf32, #tpu.memory_space<hbm>> -> memref<131072x64xf32, #tpu.memory_space<hbm>>
      tpu.enqueue_indirect_dma source(%dma_start3A_93 : memref<131072x64xf32, #tpu.memory_space<hbm>>) target(%arg27 : memref<128x64xf32, #tpu.memory_space<vmem>>) offsets(%dma_start3A_90 : memref<128xi32, #tpu.memory_space<vmem>>) semaphore(%arg30 : memref<!tpu.dma_semaphore, #tpu.memory_space<semaphore_mem>>)
      %mul3A_94 = arith.constant 128 : i32
      %mul3A_95 = arith.muli %mul3A_83, %mul3A_94 : i32
      %dma_wait3A = tpu.memref_slice %arg23[%mul3A_95] : memref<4112xi32, #tpu.memory_space<vmem>> -> memref<128xi32, #tpu.memory_space<vmem>>
      %dma_wait3A_96 = arith.constant 0 : i32
      %dma_wait3A_97 = arith.constant 0 : i32
      %dma_wait3A_98 = tpu.memref_slice %arg7[%dma_wait3A_96, %dma_wait3A_97] : memref<131072x64xf32, #tpu.memory_space<hbm>> -> memref<131072x64xf32, #tpu.memory_space<hbm>>
      tpu.wait_indirect_dma semaphore(%arg29 : memref<!tpu.dma_semaphore, #tpu.memory_space<semaphore_mem>>) src(%dma_wait3A_98 : memref<131072x64xf32, #tpu.memory_space<hbm>>) dst(%arg26 : memref<128x64xf32, #tpu.memory_space<vmem>>)
      %scan3A_99 = arith.constant 0 : i32
      %scan3A_100 = arith.constant 0 : i32
      %scan3A_101 = arith.constant 128 : i32
      %scan3A_102 = arith.addi %scan3A_100, %scan3A_101 : i32
      %scan3A_103 = arith.constant 1 : i32
      %scan3A_104 = scf.for %scan3A_145 = %scan3A_100 to %scan3A_102 step %scan3A_103 iter_args(%scan3A_146 = %scan3A_99) -> (i32)  : i32 {
        %mul3A_147 = arith.constant 128 : i32
        %mul3A_148 = arith.muli %mul3A_83, %mul3A_147 : i32
        %add3A_149 = arith.addi %mul3A_148, %scan3A_145 : i32
        %broadcast_in_dim3A = vector.broadcast %add3A_149 : i32 to vector<16xi32>
        %gather3A = tpu.vector_load_idx %arg25[%broadcast_in_dim3A] : memref<4096xf32, #tpu.memory_space<vmem>>[vector<16xi32>], vector<16xf32>,
        %broadcast_in_dim3A_150 = vector.broadcast %scan3A_145 : i32 to vector<16xi32>
        %iota3A = tpu.iota {dimensions = array<i32: 0>} : vector<16xi32>
        %add3A_151 = arith.constant 0 : i32
        %add3A_152 = vector.broadcast %add3A_151 : i32 to vector<16xi32>
        %add3A_153 = arith.addi %iota3A, %add3A_152 : vector<16xi32>
        %gather3A_154 = tpu.vector_load_idx %arg26[%broadcast_in_dim3A_150, %add3A_153] : memref<128x64xf32, #tpu.memory_space<vmem>>[vector<16xi32>, vector<16xi32>], vector<16xf32>,
        %mul3A_155 = arith.mulf %gather3A_154, %gather3A : vector<16xf32>
        tpu.vector_store_idx %arg26[%broadcast_in_dim3A_150, %add3A_153], %mul3A_155 : memref<128x64xf32, #tpu.memory_space<vmem>>[vector<16xi32>, vector<16xi32>], vector<16xf32>,
        %iota3A_156 = tpu.iota {dimensions = array<i32: 0>} : vector<16xi32>
        %add3A_157 = arith.constant 16 : i32
        %add3A_158 = vector.broadcast %add3A_157 : i32 to vector<16xi32>
        %add3A_159 = arith.addi %iota3A_156, %add3A_158 : vector<16xi32>
        %gather3A_160 = tpu.vector_load_idx %arg26[%broadcast_in_dim3A_150, %add3A_159] : memref<128x64xf32, #tpu.memory_space<vmem>>[vector<16xi32>, vector<16xi32>], vector<16xf32>,
        %mul3A_161 = arith.mulf %gather3A_160, %gather3A : vector<16xf32>
        tpu.vector_store_idx %arg26[%broadcast_in_dim3A_150, %add3A_159], %mul3A_161 : memref<128x64xf32, #tpu.memory_space<vmem>>[vector<16xi32>, vector<16xi32>], vector<16xf32>,
        %iota3A_162 = tpu.iota {dimensions = array<i32: 0>} : vector<16xi32>
        %add3A_163 = arith.constant 32 : i32
        %add3A_164 = vector.broadcast %add3A_163 : i32 to vector<16xi32>
        %add3A_165 = arith.addi %iota3A_162, %add3A_164 : vector<16xi32>
        %gather3A_166 = tpu.vector_load_idx %arg26[%broadcast_in_dim3A_150, %add3A_165] : memref<128x64xf32, #tpu.memory_space<vmem>>[vector<16xi32>, vector<16xi32>], vector<16xf32>,
        %mul3A_167 = arith.mulf %gather3A_166, %gather3A : vector<16xf32>
        tpu.vector_store_idx %arg26[%broadcast_in_dim3A_150, %add3A_165], %mul3A_167 : memref<128x64xf32, #tpu.memory_space<vmem>>[vector<16xi32>, vector<16xi32>], vector<16xf32>,
        %iota3A_168 = tpu.iota {dimensions = array<i32: 0>} : vector<16xi32>
        %add3A_169 = arith.constant 48 : i32
        %add3A_170 = vector.broadcast %add3A_169 : i32 to vector<16xi32>
        %add3A_171 = arith.addi %iota3A_168, %add3A_170 : vector<16xi32>
        %gather3A_172 = tpu.vector_load_idx %arg26[%broadcast_in_dim3A_150, %add3A_171] : memref<128x64xf32, #tpu.memory_space<vmem>>[vector<16xi32>, vector<16xi32>], vector<16xf32>,
        %mul3A_173 = arith.mulf %gather3A_172, %gather3A : vector<16xf32>
        tpu.vector_store_idx %arg26[%broadcast_in_dim3A_150, %add3A_171], %mul3A_173 : memref<128x64xf32, #tpu.memory_space<vmem>>[vector<16xi32>, vector<16xi32>], vector<16xf32>,
        %scan3A_174 = arith.constant 0 : i32
        scf.yield %scan3A_174 : i32
      }
      %scan3A_105 = arith.constant 128 : i32
      %mul3A_106 = arith.constant 128 : i32
      %mul3A_107 = arith.muli %mul3A_83, %mul3A_106 : i32
      %add3A_108 = arith.addi %mul3A_36, %mul3A_107 : i32
      %dma_start3A_109 = arith.constant 0 : i32
      %dma_start3A_110 = tpu.memref_slice %arg8[%add3A_108, %dma_start3A_109] : memref<131072x64xf32, #tpu.memory_space<hbm>> -> memref<128x64xf32, #tpu.memory_space<hbm>>
      %dma_start3A_111 = arith.constant 0 : i32
      %dma_start3A_112 = tpu.memref_slice %arg8[%add3A_108, %dma_start3A_111] : memref<131072x64xf32, #tpu.memory_space<hbm>> -> memref<128x64xf32, #tpu.memory_space<hbm>>
      tpu.enqueue_dma source(%arg26 : memref<128x64xf32, #tpu.memory_space<vmem>>) target(%dma_start3A_112 : memref<128x64xf32, #tpu.memory_space<hbm>>) target_semaphore(%arg31 : memref<!tpu.dma_semaphore, #tpu.memory_space<semaphore_mem>>)
      %dma_wait3A_113 = arith.constant 0 : i32
      %dma_wait3A_114 = tpu.memref_slice %arg8[%add3A_108, %dma_wait3A_113] : memref<131072x64xf32, #tpu.memory_space<hbm>> -> memref<128x64xf32, #tpu.memory_space<hbm>>
      %dma_wait3A_115 = arith.constant 0 : i32
      %dma_wait3A_116 = tpu.memref_slice %arg8[%add3A_108, %dma_wait3A_115] : memref<131072x64xf32, #tpu.memory_space<hbm>> -> memref<128x64xf32, #tpu.memory_space<hbm>>
      tpu.wait_dma2 semaphore(%arg31 : memref<!tpu.dma_semaphore, #tpu.memory_space<semaphore_mem>>) src(%arg26 : memref<128x64xf32, #tpu.memory_space<vmem>>) dst(%dma_wait3A_116 : memref<128x64xf32, #tpu.memory_space<hbm>>)
      %lt3A_117 = arith.constant 15 : i32
      %lt3A_118 = arith.cmpi slt, %scan3A_80, %lt3A_117 : i32
      %convert_element_type3A = arith.extui %lt3A_118 : i1 to i32
      %cond3A = arith.constant 0 : i32
      %cond3A_119 = arith.cmpi ne, %convert_element_type3A, %cond3A : i32
      scf.if %cond3A_119 {
        %add3A_145 = arith.constant 2 : i32
        %add3A_146 = arith.addi %mul3A_83, %add3A_145 : i32
        %mul3A_147 = arith.constant 128 : i32
        %mul3A_148 = arith.muli %add3A_146, %mul3A_147 : i32
        %dma_start3A_149 = tpu.memref_slice %arg23[%mul3A_148] : memref<4112xi32, #tpu.memory_space<vmem>> -> memref<128xi32, #tpu.memory_space<vmem>>
        %dma_start3A_150 = arith.constant 0 : i32
        %dma_start3A_151 = arith.constant 0 : i32
        %dma_start3A_152 = tpu.memref_slice %arg7[%dma_start3A_150, %dma_start3A_151] : memref<131072x64xf32, #tpu.memory_space<hbm>> -> memref<131072x64xf32, #tpu.memory_space<hbm>>
        tpu.enqueue_indirect_dma source(%dma_start3A_152 : memref<131072x64xf32, #tpu.memory_space<hbm>>) target(%arg26 : memref<128x64xf32, #tpu.memory_space<vmem>>) offsets(%dma_start3A_149 : memref<128xi32, #tpu.memory_space<vmem>>) semaphore(%arg29 : memref<!tpu.dma_semaphore, #tpu.memory_space<semaphore_mem>>)
      } else {
      }
      %mul3A_120 = arith.constant 128 : i32
      %mul3A_121 = arith.muli %add3A_87, %mul3A_120 : i32
      %dma_wait3A_122 = tpu.memref_slice %arg23[%mul3A_121] : memref<4112xi32, #tpu.memory_space<vmem>> -> memref<128xi32, #tpu.memory_space<vmem>>
      %dma_wait3A_123 = arith.constant 0 : i32
      %dma_wait3A_124 = arith.constant 0 : i32
      %dma_wait3A_125 = tpu.memref_slice %arg7[%dma_wait3A_123, %dma_wait3A_124] : memref<131072x64xf32, #tpu.memory_space<hbm>> -> memref<131072x64xf32, #tpu.memory_space<hbm>>
      tpu.wait_indirect_dma semaphore(%arg30 : memref<!tpu.dma_semaphore, #tpu.memory_space<semaphore_mem>>) src(%dma_wait3A_125 : memref<131072x64xf32, #tpu.memory_space<hbm>>) dst(%arg27 : memref<128x64xf32, #tpu.memory_space<vmem>>)
      %scan3A_126 = arith.constant 0 : i32
      %scan3A_127 = arith.constant 0 : i32
      %scan3A_128 = arith.constant 128 : i32
      %scan3A_129 = arith.addi %scan3A_127, %scan3A_128 : i32
      %scan3A_130 = arith.constant 1 : i32
      %scan3A_131 = scf.for %scan3A_145 = %scan3A_127 to %scan3A_129 step %scan3A_130 iter_args(%scan3A_146 = %scan3A_126) -> (i32)  : i32 {
        %mul3A_147 = arith.constant 128 : i32
        %mul3A_148 = arith.muli %add3A_87, %mul3A_147 : i32
        %add3A_149 = arith.addi %mul3A_148, %scan3A_145 : i32
        %broadcast_in_dim3A = vector.broadcast %add3A_149 : i32 to vector<16xi32>
        %gather3A = tpu.vector_load_idx %arg25[%broadcast_in_dim3A] : memref<4096xf32, #tpu.memory_space<vmem>>[vector<16xi32>], vector<16xf32>,
        %broadcast_in_dim3A_150 = vector.broadcast %scan3A_145 : i32 to vector<16xi32>
        %iota3A = tpu.iota {dimensions = array<i32: 0>} : vector<16xi32>
        %add3A_151 = arith.constant 0 : i32
        %add3A_152 = vector.broadcast %add3A_151 : i32 to vector<16xi32>
        %add3A_153 = arith.addi %iota3A, %add3A_152 : vector<16xi32>
        %gather3A_154 = tpu.vector_load_idx %arg27[%broadcast_in_dim3A_150, %add3A_153] : memref<128x64xf32, #tpu.memory_space<vmem>>[vector<16xi32>, vector<16xi32>], vector<16xf32>,
        %mul3A_155 = arith.mulf %gather3A_154, %gather3A : vector<16xf32>
        tpu.vector_store_idx %arg27[%broadcast_in_dim3A_150, %add3A_153], %mul3A_155 : memref<128x64xf32, #tpu.memory_space<vmem>>[vector<16xi32>, vector<16xi32>], vector<16xf32>,
        %iota3A_156 = tpu.iota {dimensions = array<i32: 0>} : vector<16xi32>
        %add3A_157 = arith.constant 16 : i32
        %add3A_158 = vector.broadcast %add3A_157 : i32 to vector<16xi32>
        %add3A_159 = arith.addi %iota3A_156, %add3A_158 : vector<16xi32>
        %gather3A_160 = tpu.vector_load_idx %arg27[%broadcast_in_dim3A_150, %add3A_159] : memref<128x64xf32, #tpu.memory_space<vmem>>[vector<16xi32>, vector<16xi32>], vector<16xf32>,
        %mul3A_161 = arith.mulf %gather3A_160, %gather3A : vector<16xf32>
        tpu.vector_store_idx %arg27[%broadcast_in_dim3A_150, %add3A_159], %mul3A_161 : memref<128x64xf32, #tpu.memory_space<vmem>>[vector<16xi32>, vector<16xi32>], vector<16xf32>,
        %iota3A_162 = tpu.iota {dimensions = array<i32: 0>} : vector<16xi32>
        %add3A_163 = arith.constant 32 : i32
        %add3A_164 = vector.broadcast %add3A_163 : i32 to vector<16xi32>
        %add3A_165 = arith.addi %iota3A_162, %add3A_164 : vector<16xi32>
        %gather3A_166 = tpu.vector_load_idx %arg27[%broadcast_in_dim3A_150, %add3A_165] : memref<128x64xf32, #tpu.memory_space<vmem>>[vector<16xi32>, vector<16xi32>], vector<16xf32>,
        %mul3A_167 = arith.mulf %gather3A_166, %gather3A : vector<16xf32>
        tpu.vector_store_idx %arg27[%broadcast_in_dim3A_150, %add3A_165], %mul3A_167 : memref<128x64xf32, #tpu.memory_space<vmem>>[vector<16xi32>, vector<16xi32>], vector<16xf32>,
        %iota3A_168 = tpu.iota {dimensions = array<i32: 0>} : vector<16xi32>
        %add3A_169 = arith.constant 48 : i32
        %add3A_170 = vector.broadcast %add3A_169 : i32 to vector<16xi32>
        %add3A_171 = arith.addi %iota3A_168, %add3A_170 : vector<16xi32>
        %gather3A_172 = tpu.vector_load_idx %arg27[%broadcast_in_dim3A_150, %add3A_171] : memref<128x64xf32, #tpu.memory_space<vmem>>[vector<16xi32>, vector<16xi32>], vector<16xf32>,
        %mul3A_173 = arith.mulf %gather3A_172, %gather3A : vector<16xf32>
        tpu.vector_store_idx %arg27[%broadcast_in_dim3A_150, %add3A_171], %mul3A_173 : memref<128x64xf32, #tpu.memory_space<vmem>>[vector<16xi32>, vector<16xi32>], vector<16xf32>,
        %scan3A_174 = arith.constant 0 : i32
        scf.yield %scan3A_174 : i32
      }
      %scan3A_132 = arith.constant 128 : i32
      %mul3A_133 = arith.constant 128 : i32
      %mul3A_134 = arith.muli %add3A_87, %mul3A_133 : i32
      %add3A_135 = arith.addi %mul3A_36, %mul3A_134 : i32
      %dma_start3A_136 = arith.constant 0 : i32
      %dma_start3A_137 = tpu.memref_slice %arg8[%add3A_135, %dma_start3A_136] : memref<131072x64xf32, #tpu.memory_space<hbm>> -> memref<128x64xf32, #tpu.memory_space<hbm>>
      %dma_start3A_138 = arith.constant 0 : i32
      %dma_start3A_139 = tpu.memref_slice %arg8[%add3A_135, %dma_start3A_138] : memref<131072x64xf32, #tpu.memory_space<hbm>> -> memref<128x64xf32, #tpu.memory_space<hbm>>
      tpu.enqueue_dma source(%arg27 : memref<128x64xf32, #tpu.memory_space<vmem>>) target(%dma_start3A_139 : memref<128x64xf32, #tpu.memory_space<hbm>>) target_semaphore(%arg32 : memref<!tpu.dma_semaphore, #tpu.memory_space<semaphore_mem>>)
      %dma_wait3A_140 = arith.constant 0 : i32
      %dma_wait3A_141 = tpu.memref_slice %arg8[%add3A_135, %dma_wait3A_140] : memref<131072x64xf32, #tpu.memory_space<hbm>> -> memref<128x64xf32, #tpu.memory_space<hbm>>
      %dma_wait3A_142 = arith.constant 0 : i32
      %dma_wait3A_143 = tpu.memref_slice %arg8[%add3A_135, %dma_wait3A_142] : memref<131072x64xf32, #tpu.memory_space<hbm>> -> memref<128x64xf32, #tpu.memory_space<hbm>>
      tpu.wait_dma2 semaphore(%arg32 : memref<!tpu.dma_semaphore, #tpu.memory_space<semaphore_mem>>) src(%arg27 : memref<128x64xf32, #tpu.memory_space<vmem>>) dst(%dma_wait3A_143 : memref<128x64xf32, #tpu.memory_space<hbm>>)
      %scan3A_144 = arith.constant 0 : i32
      scf.yield %scan3A_144 : i32
    }
    %scan3A_79 = arith.constant 16 : i32
    return
  }
}

module attributes {stable_mosaic.version = 14 : i64} {
  func.func @_prep_body(%arg0: memref<2x65536xf32, #tpu.memory_space<vmem>>, %arg1: memref<2x65536xf32, #tpu.memory_space<vmem>>, %arg2: memref<2x65536xi32, #tpu.memory_space<vmem>>, %arg3: memref<2x65536xi32, #tpu.memory_space<vmem>>, %arg4: memref<2x65536xf32, #tpu.memory_space<vmem>>, %arg5: memref<2x65536xf32, #tpu.memory_space<vmem>>) attributes {dimension_semantics = [], scalar_prefetch = 0 : i64, scratch_operands = 0 : i64, tpu.core_type = #tpu.core_type<tc>} {
    %get3A = arith.constant 0 : index
    %get3A_0 = arith.constant 0 : index
    %get3A_1 = vector.load %arg0[%get3A, %get3A_0] : memref<2x65536xf32, #tpu.memory_space<vmem>>, vector<2x65536xf32>
    %neg3A = arith.constant 0.000000e+00 : f32
    %neg3A_2 = vector.broadcast %neg3A : f32 to vector<2x65536xf32>
    %neg3A_3 = arith.subf %neg3A_2, %get3A_1 : vector<2x65536xf32>
    %get3A_4 = arith.constant 0 : index
    %get3A_5 = arith.constant 0 : index
    %get3A_6 = vector.load %arg1[%get3A_4, %get3A_5] : memref<2x65536xf32, #tpu.memory_space<vmem>>, vector<2x65536xf32>
    %neg3A_7 = arith.constant 0.000000e+00 : f32
    %neg3A_8 = vector.broadcast %neg3A_7 : f32 to vector<2x65536xf32>
    %neg3A_9 = arith.subf %neg3A_8, %get3A_6 : vector<2x65536xf32>
    %sub3A = arith.constant 1.000000e+00 : f32
    %sub3A_10 = vector.broadcast %sub3A : f32 to vector<2x65536xf32>
    %sub3A_11 = arith.subf %sub3A_10, %neg3A_3 : vector<2x65536xf32>
    %mul3A = arith.constant 2.560000e+02 : f32
    %mul3A_12 = vector.broadcast %mul3A : f32 to vector<2x65536xf32>
    %mul3A_13 = arith.mulf %sub3A_11, %mul3A_12 : vector<2x65536xf32>
    %sub3A_14 = arith.constant 1.000000e+00 : f32
    %sub3A_15 = vector.broadcast %sub3A_14 : f32 to vector<2x65536xf32>
    %sub3A_16 = arith.subf %mul3A_13, %sub3A_15 : vector<2x65536xf32>
    %div3A = arith.constant 2.000000e+00 : f32
    %div3A_17 = vector.broadcast %div3A : f32 to vector<2x65536xf32>
    %div3A_18 = arith.divf %sub3A_16, %div3A_17 : vector<2x65536xf32>
    %sub3A_19 = arith.constant 1.000000e+00 : f32
    %sub3A_20 = vector.broadcast %sub3A_19 : f32 to vector<2x65536xf32>
    %sub3A_21 = arith.subf %sub3A_20, %neg3A_9 : vector<2x65536xf32>
    %mul3A_22 = arith.constant 2.560000e+02 : f32
    %mul3A_23 = vector.broadcast %mul3A_22 : f32 to vector<2x65536xf32>
    %mul3A_24 = arith.mulf %sub3A_21, %mul3A_23 : vector<2x65536xf32>
    %sub3A_25 = arith.constant 1.000000e+00 : f32
    %sub3A_26 = vector.broadcast %sub3A_25 : f32 to vector<2x65536xf32>
    %sub3A_27 = arith.subf %mul3A_24, %sub3A_26 : vector<2x65536xf32>
    %div3A_28 = arith.constant 2.000000e+00 : f32
    %div3A_29 = vector.broadcast %div3A_28 : f32 to vector<2x65536xf32>
    %div3A_30 = arith.divf %sub3A_27, %div3A_29 : vector<2x65536xf32>
    %round3A = math.roundeven %div3A_18 : vector<2x65536xf32>
    %convert_element_type3A = arith.fptosi %round3A : vector<2x65536xf32> to vector<2x65536xi32>
    %swap3A = arith.constant 0 : index
    %swap3A_31 = arith.constant 0 : index
    %swap3A_32 = vector.load %arg3[%swap3A, %swap3A_31] : memref<2x65536xi32, #tpu.memory_space<vmem>>, vector<2x65536xi32>
    tpu.vector_store %arg3[%swap3A, %swap3A_31], %convert_element_type3A {strides = array<i32>} : memref<2x65536xi32, #tpu.memory_space<vmem>>, vector<2x65536xi32>,
    %round3A_33 = math.roundeven %div3A_30 : vector<2x65536xf32>
    %convert_element_type3A_34 = arith.fptosi %round3A_33 : vector<2x65536xf32> to vector<2x65536xi32>
    %swap3A_35 = arith.constant 0 : index
    %swap3A_36 = arith.constant 0 : index
    %swap3A_37 = vector.load %arg2[%swap3A_35, %swap3A_36] : memref<2x65536xi32, #tpu.memory_space<vmem>>, vector<2x65536xi32>
    tpu.vector_store %arg2[%swap3A_35, %swap3A_36], %convert_element_type3A_34 {strides = array<i32>} : memref<2x65536xi32, #tpu.memory_space<vmem>>, vector<2x65536xi32>,
    %swap3A_38 = arith.constant 0 : index
    %swap3A_39 = arith.constant 0 : index
    %swap3A_40 = vector.load %arg4[%swap3A_38, %swap3A_39] : memref<2x65536xf32, #tpu.memory_space<vmem>>, vector<2x65536xf32>
    tpu.vector_store %arg4[%swap3A_38, %swap3A_39], %neg3A_3 {strides = array<i32>} : memref<2x65536xf32, #tpu.memory_space<vmem>>, vector<2x65536xf32>,
    %swap3A_41 = arith.constant 0 : index
    %swap3A_42 = arith.constant 0 : index
    %swap3A_43 = vector.load %arg5[%swap3A_41, %swap3A_42] : memref<2x65536xf32, #tpu.memory_space<vmem>>, vector<2x65536xf32>
    tpu.vector_store %arg5[%swap3A_41, %swap3A_42], %neg3A_9 {strides = array<i32>} : memref<2x65536xf32, #tpu.memory_space<vmem>>, vector<2x65536xf32>,
    return
  }
}

</mosaic_0001>

<sc_bundles>
// kernel: kernel.4.cloned.1.call-start
scs
__scs_entry_jumppad:
0x0: {  	(pc) =	sbr.rel $0x88, $3  }
0x1: {  	(tag) =	ssettag $0x0;
	lr =	simm.s32 $0x1  }
0x2: {  	[smem:$0x3F9F] =	sst lr;
	_ =	strace $0xD0000000  }
0x3: {  	_ = 	snop  }
0x4: {  	_ = 	snop  }
0x5: {  	_ = 	snop  }
0x6: {  	_ = 	snop  }
0x7: {  	_ = 	snop  }
__scs_overlays_trampoline_lowered:
0x8: {  	[smem:$0x3FAE] =	sst s0  }
0x9: {  	[smem:$0x3FAF] =	sst s1  }
0xa: {  	[smem:$0x3FB0] =	sst s2  }
0xb: {  	[smem:$0x3FB1] =	sst s3  }
0xc: {  	[smem:$0x3FB2] =	sst s4  }
0xd: {  	[smem:$0x3FB3] =	sst s5  }
0xe: {  	[smem:$0x3FB4] =	sst s6  }
0xf: {  	[smem:$0x3FB5] =	sst s7  }
0x10: {  	[smem:$0x3FB6] =	sst s8  }
0x11: {  	[smem:$0x3FB7] =	sst s9;
	s0 =	simm.s32 @!p0 $0x0  }
0x12: {  	s1 =	sld [smem:$0x3F9D];
	s0 =	simm.s32 @p0 $0x1  }
0x13: {  	[smem:$0x3FB8] =	sst s0;
	s0 =	simm.s32 @!p1 $0x0  }
0x14: {  	s2 =	sld [smem:$0x3F9C];
	s0 =	simm.s32 @p1 $0x1  }
0x15: {  	[smem:$0x3FB9] =	sst s0;
	s0 =	simm.s32 @!p2 $0x0  }
0x16: {  	s3 =	sld [smem:$0x3FDB];
	s0 =	simm.s32 @p2 $0x1  }
0x17: {  	s4 =	simm.s32 $0x1BF5;
	[smem:$0x3FBB] =	sst s0  }
0x18: {  	s0 =	sld [smem:$0x3F9E];
	_ =	swait.ge [sflag:s4], $0x0  }
0x19: {  	s7 =	sld [smem:$0x3F9F]  }
0x1a: {  	s8 =	sadd.s32 $0xFFFFE003, lr  }
0x1b: {  	s9 =	sadd.s32 $0xFFFFFEF7, lr;
	s5 =	simm.s32 $0xFFFFFFFF;
	p2 =	slt.u32 s8, $0xFFFFF086  }
0x1c: {  	p1 =	slt.u32 s9, $0xF7A;
	s5 =	simm.s32 @!p2 $0x0  }
0x1d: {  	s5 =	simm.s32 @p1 $0x1;
	p0 =	seq.s32 s7, s2  }
0x1e: {  	s7 =	smul.u32 @!p0 $0xF7A, s2;
	p2 =	seq.s32 @!p0 s5, $0x0  }
0x1f: {  	s9 =	smul.u32 $0xF7A, s1;
	s8 =	simm.s32 @!p0 $0x1BF5;
	p2 =	por !p2, p0  }
0x20: {  	[sflag:s8] =	ssyncset.s32 @!p0 $0xFFFFF086;
	s6 =	sadd.s32 @!p0 s3, s7;
	s7 =	simm.s32 @!p0 $0x108  }
0x21: {  	s3 =	sadd.s32 s3, s9;
	s6 =	sadd.s32 @!p0 $0x88, s6;
	s7 =	simm.s32 @p2 $0x1082  }
0x22: {  	[simem:s7], [sflag:s8] =	dma.local @!p0 [hbm:s6], $0xF7A  }
0x23: {  	s9 =	sor.u32 $0xD0000000, s2;
	s6 =	simm.s32 $0x108;
	_ =	swait.ge @!p0 [sflag:s8], $0x0  }
0x24: {  	s3 =	sadd.s32 $0x88, s3;
	s6 =	simm.s32 @!p1 $0x1082;
	[sflag:s4] =	ssyncset.s32 $0xFFFFF086  }
0x25: {  	[simem:s6], [sflag:s4] =	dma.local [hbm:s3], $0xF7A  }
0x26: {  	[smem:$0x3F9F] =	sst s1;
	(tag) =	ssettag s2;
	_ =	strace s9  }
0x27: {  	s1 =	sld [smem:$0x3FAF]  }
0x28: {  	s2 =	sld [smem:$0x3FB0]  }
0x29: {  	s4 =	sld [smem:$0x3FB2]  }
0x2a: {  	p0 =	seq.s32 s5, $0x0;
	s5 =	sld [smem:$0x3FB3]  }
0x2b: {  	s6 =	sld [smem:$0x3FB4]  }
0x2c: {  	s7 =	sld [smem:$0x3FB5]  }
0x2d: {  	s3 =	simm.s32 $0x108;
	s8 =	sld [smem:$0x3FB6]  }
0x2e: {  	s3 =	simm.s32 @!p0 $0x1082;
	s9 =	sld [smem:$0x3FB7]  }
0x2f: {  	lr =	sadd.s32 s0, s3;
	s0 =	sld [smem:$0x3FAE]  }
0x30: {  	s3 =	sld [smem:$0x3FB1]  }
0x31: {  	[smem:$0x3FBA] =	sst s10  }
0x32: {  	s10 =	sld [smem:$0x3FB8];
	_ =	sdelay $0x3  }
0x33: {  	p0 =	seq.s32 s10, $0x1;
	s10 =	sld [smem:$0x3FBA];
	_ =	sdelay $0x3  }
0x34: {  	[smem:$0x3FBA] =	sst s10  }
0x35: {  	s10 =	sld [smem:$0x3FB9];
	_ =	sdelay $0x3  }
0x36: {  	p1 =	seq.s32 s10, $0x1;
	s10 =	sld [smem:$0x3FBA];
	_ =	sdelay $0x3  }
0x37: {  	[smem:$0x3FBA] =	sst s10  }
0x38: {  	s10 =	sld [smem:$0x3FBB]  }
0x39: {  	_ = 	snop;
	(pc) =	sbr.ind lr, $3  }
0x3a: {  	_ = 	snop  }
0x3b: {  	_ = 	snop  }
0x3c: {  	p2 =	seq.s32 s10, $0x1;
	s10 =	sld [smem:$0x3FBA]  }
0x3d: {  	_ =	shalt  }
0x3e: {  	_ =	shalt  }
0x3f: {  	_ =	shalt  }
0x40: {  	_ =	shalt  }
0x41: {  	_ =	shalt  }
0x42: {  	_ =	shalt  }
0x43: {  	_ =	shalt  }
0x44: {  	_ =	shalt  }
0x45: {  	_ =	shalt  }
0x46: {  	_ =	shalt  }
0x47: {  	_ =	shalt  }
0x48: {  	_ =	shalt  }
0x49: {  	_ =	shalt  }
0x4a: {  	_ =	shalt  }
0x4b: {  	_ =	shalt  }
0x4c: {  	_ =	shalt  }
0x4d: {  	_ =	shalt  }
0x4e: {  	_ =	shalt  }
0x4f: {  	_ =	shalt  }
0x50: {  	_ =	shalt  }
0x51: {  	_ =	shalt  }
0x52: {  	_ =	shalt  }
0x53: {  	_ =	shalt  }
0x54: {  	_ =	shalt  }
0x55: {  	_ =	shalt  }
0x56: {  	_ =	shalt  }
0x57: {  	_ =	shalt  }
0x58: {  	_ =	shalt  }
0x59: {  	_ =	shalt  }
0x5a: {  	_ =	shalt  }
0x5b: {  	_ =	shalt  }
0x5c: {  	_ =	shalt  }
0x5d: {  	_ =	shalt  }
0x5e: {  	_ =	shalt  }
0x5f: {  	_ =	shalt  }
0x60: {  	_ =	shalt  }
0x61: {  	_ =	shalt  }
0x62: {  	_ =	shalt  }
0x63: {  	_ =	shalt  }
0x64: {  	_ =	shalt  }
0x65: {  	_ =	shalt  }
0x66: {  	_ =	shalt  }
0x67: {  	_ =	shalt  }
0x68: {  	_ =	shalt  }
0x69: {  	_ =	shalt  }
0x6a: {  	_ =	shalt  }
0x6b: {  	_ =	shalt  }
0x6c: {  	_ =	shalt  }
0x6d: {  	_ =	shalt  }
0x6e: {  	_ =	shalt  }
0x6f: {  	_ =	shalt  }
0x70: {  	_ =	shalt  }
0x71: {  	_ =	shalt  }
0x72: {  	_ =	shalt  }
0x73: {  	_ =	shalt  }
0x74: {  	_ =	shalt  }
0x75: {  	_ =	shalt  }
0x76: {  	_ =	shalt  }
0x77: {  	_ =	shalt  }
0x78: {  	_ =	shalt  }
0x79: {  	_ =	shalt  }
0x7a: {  	_ =	shalt  }
0x7b: {  	_ =	shalt  }
0x7c: {  	_ =	shalt  }
0x7d: {  	_ =	shalt  }
0x7e: {  	_ =	shalt  }
0x7f: {  	_ =	shalt  }
0x80: {  	_ =	shalt  }
0x81: {  	_ =	shalt  }
0x82: {  	_ =	shalt  }
0x83: {  	_ =	shalt  }
0x84: {  	_ =	shalt  }
0x85: {  	_ =	shalt  }
0x86: {  	_ =	shalt  }
0x87: {  	_ =	shalt  }
.Lfunc_end0:
.L_simem_size_0:
called_computation.2_lowered:
.L_overlay_start_0:
0x88: {  	s2 =	sld [smem:$0x3FD9]  }
0x89: {  	s3 =	sld [smem:$0x3FFE];
	_ =	sdelay $0x1  }
0x8a: {  	s1 =	srdreg.scid  }
0x8b: {  	s0 =	sand.u32 $0x1, s1  }
0x8c: {  	s17 =	sshll.u32 s0, $0xA;
	s2 =	sadd.s32 s3, s2  }
0x8d: {  	s2 =	sadd.s32 s2, s17  }
0x8e: {  	[smem:$0x3FC6] =	sst s2  }
0x8f: {  	_ = 	snop  }
0x90: {  	s2 =	sld [smem:$0x3FD0];
	(tm) =	ssettm $0x1  }
0x91: {  	s18 =	sld [smem:$0x3FFB];
	_ =	sdelay $0x3  }
0x92: {  	_ =	strace s18  }
0x93: {  	s3 =	sld [smem:$0x3FFC];
	_ =	sdelay $0x3  }
0x94: {  	_ =	strace s3  }
0x95: {  	s3 =	sld [smem:$0x3FFD];
	_ =	sdelay $0x3  }
0x96: {  	_ =	strace s3  }
0x97: {  	_ =	strace $0x8FFFFFFF  }
0x98: {  	s19 =	sld [smem:$0x3FDB];
	_ =	sdelay $0x1  }
0x99: {  	s4 =	simm.s32 $_scs_section_size  }
0x9a: {  	s5 =	simm.s32 $_size__tile_overlayer_lowered;
	s6 =	simm.s32 $_tile_overlayer_lowered  }
0x9b: {  	s22 =	simm.s32 $0x1BFF;
	s21 =	sshll.u32 s6, $0x1;
	s3 =	sadd.s32 s4, s19  }
0x9c: {  	s7 =	simm.s32 $0x0;
	s20 =	sshll.u32 s5, $0x1;
	s5 =	sadd.s32 s21, s3  }
0x9d: {  	[timem:s7], [sflag:s22] =	dma.local [hbm:s5], s20  }
0x9e: {  	_ =	swait.ge [sflag:s22], s20  }
0x9f: {  	s4 =	ssub.s32 $0x0, s20;
	[sflag:s22] =	ssyncset.done $0x0  }
0xa0: {  	[sflag:s22] =	ssyncadd.s32 s4;
	_ =	sdelay $0x1  }
0xa1: {  	s23 =	simm.s32 $0x1B8B  }
0xa2: {  	_ =	swait.ge [sflag:s23], $0x1  }
0xa3: {  	[sflag:s23] =	ssyncset.done $0x0  }
0xa4: {  	s25 =	simm.s32 $0x1B8E;
	s24 =	sld [smem:$0x3FFE];
	[sflag:s23] =	ssyncadd.s32 $0xFFFFFFFF  }
0xa5: {  	s26 =	simm.s32 $execute0_lowered;
	[smem:$0x3FD2] =	sst s25  }
0xa6: {  	s5 =	sshll.u32 s26, $0x1;
	_ =	strace $0x80000049;
	[dreg:$0x1] =	wrdreg $0xFFFFFFFF  }
0xa7: {  	s28 =	simm.s32 $_size_execute0_lowered;
	s3 =	sadd.s32 s3, s5;
	[dreg:$0x0] =	wrdreg $0x0  }
0xa8: {  	s5 =	sshll.u32 s28, $0x1;
	[dreg:$0x2] =	wrdreg s3  }
0xa9: {  	[dreg:$0x3] =	wrdreg s5  }
0xaa: {  	[dreg:$0x4] =	wrdreg $0xC0  }
0xab: {  	_ =	task [dreg:s7], $0x5FFFF  }
0xac: {  	[dreg:$0x1] =	wrdreg $0xFFFFFFFF  }
0xad: {  	[dreg:$0x0] =	wrdreg $0x60  }
0xae: {  	[dreg:$0x2] =	wrdreg s24  }
0xaf: {  	[dreg:$0x3] =	wrdreg s2  }
0xb0: {  	[dreg:$0x4] =	wrdreg $0x9  }
0xb1: {  	_ =	task.clear_ibuf [dreg:s7], $0x5FFFF;
	_ =	strace $0x90000049  }
0xb2: {  	s29 =	simm.s32 $0x9;
	_ =	strace $0x8000004B  }
0xb3: {  	_ =	swait.ge [sflag:s29], $0x1  }
0xb4: {  	[sflag:s29] =	ssyncadd.s32 $0xFFFFFFFF  }
0xb5: {  	_ =	strace $0x9000004B  }
0xb6: {  	_ =	sfence  }
0xb7: {  	s30 =	sld [smem:$0x0];
	_ =	sdelay $0x2  }
0xb8: {  	s31 =	sshll.u32 s1, $0xD;
	s1 =	sshrl.u32 s1, $0x2  }
0xb9: {  	s3 =	sand.u32 $0x4000, s31;
	s1 =	sadd.s32 s1, s30  }
0xba: {  	s0 =	sor.u32 s3, s0;
	s1 =	sshll.u32 s1, $0x11  }
0xbb: {  	s0 =	sor.u32 s1, s0  }
0xbc: {  	s0 =	sadd.s32 $0x8F2B, s0  }
0xbd: {  	[sflag:s0] =	ssyncadd.remote.s32 $0x1  }
0xbe: {  	_ =	sfence.sel $0xFFFF  }
0xbf: {  	[dreg:$0x0] =	wrdreg $0xFFFFFFFF;
	(pc) =	sbr.abs _section_cstart, $3  }
0xc0: {  	[dreg:$0x1] =	wrdreg $0xFFFFFFFF  }
0xc1: {  	_ =	task.clear_ibuf [dreg:s7], $0x2FFFF;
	_ =	strace $0x9FFFFFFF  }
0xc2: {  	(tm) =	ssettm $0x7FFFFFFF  }
0xc3: {  	_ =	shalt  }
tec
execute0_lowered:
.L_overlay_start_1:
0x0: {  	(tag) =	ssettag $0x1  }
0x1: {  	s0 =	rddreg [dreg:$0x0]  }
0x2: {  	s2 =	simm.s32 $0x0;
	s1 =	srdreg.scid;
	s5 =	stileid.u32  }
0x3: {  	s15 =	simm.s32 $0x2000;
	s16 =	simm.s32 $0x4000;
	s28 =	simm.s32 $0x1  }
0x4: {  	s29 =	simm.s32 $0xA000;
	s30 =	simm.s32 $0xB010;
	s31 =	simm.s32 $0xC020  }
0x5: {  	s12 =	simm.s32 $0x11040;
	[smem:$0x7FF] =	sst s2;
	s6 =	sadd.s32 $0x205200, s0  }
0x6: {  	s7 =	sadd.s32 $0x209200, s0;
	s1 =	sand.u32 $0x1, s1;
	s9 =	sadd.s32 $0x20D200, s0  }
0x7: {  	s3 =	sshll.u32 s5, $0x1;
	s10 =	sadd.s32 $0x211200, s0;
	s11 =	sadd.s32 $0x201200, s0  }
0x8: {  	s5 =	sshll.u32 s5, $0xD;
	_ =	strace $0x8000004A;
	[dreg:$0x3] =	wrdreg s6  }
0x9: {  	s3 =	sor.u32 s1, s3;
	s1 =	ssub.s32 $0x2, s1;
	[dreg:$0x4] =	wrdreg s7  }
0xa: {  	s8 =	sand.u32 $0x10000, s5;
	[dreg:$0x5] =	wrdreg s9;
	s14 =	smov.u32 s11  }
0xb: {  	s4 =	sshll.u32 s3, $0xF;
	s17 =	sshrl.u32 s1, $0x1;
	s3 =	sshll.u32 s3, $0x4  }
0xc: {  	v0 =	vimm.f32 $2.560000000e+02;
	s5 =	sshrl.u32 s8, $0x3;
	[dreg:$0x6] =	wrdreg s8;
	s23 =	sor.u32 $0x2000, s8  }
0xd: {  	(erf) = vrcp.f32 v0;
	v0 =	vimm.f32 $1.373291020e-04;
	s8 =	smov.u32 s10;
	s0 =	sadd.s32 s4, s0;
	s1 =	ssub.s32 s1, s17  }
0xe: {  	s3 =	sand.u32 $0xF0, s3;
	s18 =	sadd.s32 s6, s5;
	s19 =	sadd.s32 s7, s5;
	(erf) = vrcp.f32 v0  }
0xf: {  	s20 =	sadd.s32 s9, s5;
	[dreg:$0xa] =	wrdreg s23;
	s17 =	simm.s32 $0x6000  }
0x10: {  	v2 =	vimm.s32 $0x43332221;
	v3 =	vimm.s32 $0x11000FFF;
	v4 =	vimm.s32 $0xD34D34D3;
	s24 =	sadd.s32 s10, s5;
	s25 =	sadd.s32 s11, s5;
	[dreg:$0x7] =	wrdreg s18  }
0x11: {  	v5 =	vunpack.c.l.s4.s8 v2;
	v6 =	vunpack.c.l.s4.s8 v3;
	v7 =	vunpack.c.l.s2.s4 v4;
	s10 =	simm.s32 $0xF040;
	s4 =	simm.s32 $0x0;
	[dreg:$0x8] =	wrdreg s19  }
0x12: {  	v3 =	vimm.f32 $+Inf;
	v4 =	vimm.s32 $0xFFFFFFFF;
	[dreg:$0x9] =	wrdreg s20;
	s21 =	sadd.s32 $0xFFFFFFFF, s3;
	s22 =	sadd.s32 $0x10, s3  }
0x13: {  	v10 =	vunpack.c.0.s8.s32 v5;
	v11 =	vunpack.c.0.s8.s32 v6;
	v12 =	vunpack.c.l.s4.s8 v7;
	s0 =	sadd.s32 $0x1200, s0;
	s18 =	simm.s32 $0x8000;
	[dreg:$0xc] =	wrdreg s24  }
0x14: {  	v5 =	vimm.f32 $0.0e+00;
	v6 =	vimm.s32 $0x0;
	v7 =	vlaneseq.u32;
	s19 =	simm.s32 $0x1000;
	s20 =	simm.s32 $0x3000;
	[dreg:$0xd] =	wrdreg s25  }
0x15: {  	v9 =	vor.u32 $0x1000, v7;
	v13 =	vor.u32 $0x10, v7;
	v14 =	vor.u32 $0x20, v7;
	s26 =	smax.u32 s1, $0x1;
	s24 =	simm.s32 $0x5000;
	[dreg:$0xb] =	wrdreg s0  }
0x16: {  	v15 =	vor.u32 $0x30, v7;
	s25 =	simm.s32 $0x7000;
	v2 =	vmov s3;
	s3 =	simm.s32 $0x2;
	v10 =	vcombine.low v11, v10;
	[dreg:$0xe] =	wrdreg s26;
	v8 =	vpop (erf)  }
0x17: {  	v11 =	vunpack.c.0.s8.s32 v12;
	v0 =	vmov s21;
	v1 =	vmov s22;
	s26 =	simm.s32 $0x9000;
	s0 =	simm.s32 $0xD030;
	s22 =	simm.s32 $0xE040;
	v12 =	vpop (erf)  }
.LBB2_1:
0x18: {  	[dreg:$0xf] =	wrdreg s4;
	s1 =	simm.s32 $0x40;
	s4 =	simm.s32 $0x0  }
.LBB2_2:
0x19: {  	p0 =	sne.s32 s1, $0x4000;
	[tilespmem:s4+$0xD030] =	vst v5;
	s5 =	smov.u32 s1;
	s1 =	sadd.s32 $0x40, s1  }
.Ltmp0:
0x1a: {  	[tilespmem:s4+$0xB010] =	vst v3;
	(pc) =	sbr.rel @p0 .LBB2_2-.Ltmp0, $2  }
0x1b: {  	[tilespmem:s4+$0xC020] =	vst v4;
	_ =	sdelay $0x2  }
0x1c: {  	s4 =	sshra.s32 s5, $0x2  }
0x1d: {  	[tilespmem:s4+$0xD030] =	vst v5  }
0x1e: {  	[tilespmem:s4+$0xB010] =	vst v3  }
0x1f: {  	[tilespmem:s4+$0xC020] =	vst v4;
	s9 =	simm.s32 $0x0;
	s1 =	rddreg [dreg:$0x7]  }
0x20: {  	[tilespmem:s9], [sflag:$0x1] =	stream.linear.gather [hbm4b:s1+s9], $0x1000, $0x38;
	[tilespmem:$0x13040] =	vst v63  }
0x21: {  	s11 =	rddreg [dreg:$0x8]  }
0x22: {  	[tilespmem:s15], [sflag:$0x1] =	stream.linear.gather [hbm4b:s11+s9], $0x1000, $0x38;
	[tilespmem:$0x13040] =	vst v63  }
0x23: {  	s13 =	rddreg [dreg:$0x9]  }
0x24: {  	[tilespmem:s16], [sflag:$0x1] =	stream.linear.gather [hbm4b:s13+s9], $0x1000, $0x38;
	[tilespmem:$0x13040] =	vst v63  }
.Ltmp1:
0x25: {  	_ = 	snop;
	(pc) =	sbr.rel .LBB2_4-.Ltmp1, $4  }
0x26: {  	s21 =	rddreg [dreg:$0xc]  }
0x27: {  	[tilespmem:s17], [sflag:$0x1] =	stream.linear.gather [hbm4b:s21+s9], $0x1000, $0x38;
	[tilespmem:$0x13040] =	vst v63  }
0x28: {  	s23 =	rddreg [dreg:$0xd];
	s13 =	simm.s32 $0x0  }
0x29: {  	[tilespmem:s18], [sflag:$0x1] =	stream.linear.gather [hbm4b:s23+s9], $0x1000, $0x38;
	[tilespmem:$0x13040] =	vst v63  }
.LBB2_14:
0x2a: {  	s13 =	sadd.s32 $0x1, s13  }
0x2b: {  	p0 =	sne.s32 s13, $0x8  }
.Ltmp2:
0x2c: {  	_ = 	snop;
	(pc) =	sbr.rel @!p0 .LBB2_15-.Ltmp2, $1  }
0x2d: {  	_ =	sdelay $0x3  }
.LBB2_4:
0x2e: {  	s1 =	sshll.u32 s13, $0xD;
	s4 =	rddreg [dreg:$0x6]  }
0x2f: {  	s4 =	sor.u32 s1, s4  }
0x30: {  	s21 =	sor.u32 $0x1000, s4  }
0x31: {  	s6 =	rddreg [dreg:$0x3];
	s5 =	sshrl.u32 s21, $0x3  }
0x32: {  	s7 =	rddreg [dreg:$0x4];
	s6 =	sadd.s32 s6, s5  }
0x33: {  	[tilespmem:s19], [sflag:$0x2] =	stream.linear.gather [hbm4b:s6+s9], $0x1000, $0x38;
	[tilespmem:$0x13040] =	vst v63  }
0x34: {  	s11 =	rddreg [dreg:$0x5];
	s6 =	sadd.s32 s7, s5  }
0x35: {  	[tilespmem:s20], [sflag:$0x2] =	stream.linear.gather [hbm4b:s6+s9], $0x1000, $0x38;
	[tilespmem:$0x13040] =	vst v63  }
0x36: {  	s6 =	sadd.s32 s11, s5  }
0x37: {  	[tilespmem:s24], [sflag:$0x2] =	stream.linear.gather [hbm4b:s6+s9], $0x1000, $0x38;
	[tilespmem:$0x13040] =	vst v63  }
0x38: {  	s23 =	sadd.s32 s8, s5  }
0x39: {  	[tilespmem:s25], [sflag:$0x2] =	stream.linear.gather [hbm4b:s23+s9], $0x1000, $0x38;
	[tilespmem:$0x13040] =	vst v63  }
0x3a: {  	s5 =	sadd.s32 s14, s5  }
0x3b: {  	[tilespmem:s26], [sflag:$0x2] =	stream.linear.gather [hbm4b:s5+s9], $0x1000, $0x38;
	[tilespmem:$0x13040] =	vst v63  }
0x3c: {  	_ =	swait.ge [sflag:s28], $0x1000  }
0x3d: {  	[sflag:s28] =	ssyncset.done $0x0  }
0x3e: {  	[sflag:s28] =	ssyncadd.s32 $0xFFFFF000  }
0x3f: {  	_ =	swait.ge [sflag:s28], $0x1000  }
0x40: {  	[sflag:s28] =	ssyncset.done $0x0  }
0x41: {  	[sflag:s28] =	ssyncadd.s32 $0xFFFFF000  }
0x42: {  	_ =	swait.ge [sflag:s28], $0x1000  }
0x43: {  	[sflag:s28] =	ssyncset.done $0x0  }
0x44: {  	[sflag:s28] =	ssyncadd.s32 $0xFFFFF000  }
0x45: {  	_ =	swait.ge [sflag:s28], $0x1000  }
0x46: {  	[sflag:s28] =	ssyncset.done $0x0  }
0x47: {  	[sflag:s28] =	ssyncadd.s32 $0xFFFFF000  }
0x48: {  	_ =	swait.ge [sflag:s28], $0x1000  }
0x49: {  	[sflag:s28] =	ssyncset.done $0x0  }
0x4a: {  	[sflag:s28] =	ssyncadd.s32 $0xFFFFF000  }
0x4b: {  	v16 =	vld [tilespmem:s9+$0x0];
	_ =	sdelay $0x4  }
0x4c: {  	vm0 =	vge.s32 v16, v0;
	vm1 =	vle.s32 v16, v1  }
0x4d: {  	vm0 =	vmand vm0, vm1  }
0x4e: {  	v16 =	vsel vm0, $0x1, v6  }
0x4f: {  	(xrf0) =	vadd.scan.msk.s32 $0xffff, v16;
	_ =	sdelay $0x2  }
0x50: {  	v16 =	vmov s9  }
0x51: {  	v16 =	vadd.s32 $0xFFFFFFFF, v16  }
0x52: {  	v16 =	vbroadcast v16, $0x0  }
0x53: {  	v17, _, _ =	vpop (xrf0)  }
0x54: {  	v16 =	vadd.s32 v17, v16;
	(v2sf) =	vpush v17, $0xF  }
0x55: {  	v16 =	vsel vm0, v16, v9;
	_ =	sdelay $0x3  }
0x56: {  	v18 =	vor.u32 s9, v7  }
0x57: {  	s5 =	simm.s32 $0x10;
	[tilespmem:v16+s29+$0x0] =	vst.idx.msk $0xffff, v18  }
0x58: {  	s11 =	simm.s32 $0x20;
	s6 =	simm.s32 $0x0;
	s23 =	simm.s32 $0x10;
	v16 =	vld [tilespmem:s5+$0x0]  }
.LBB2_5:
0x59: {  	p0 =	seq.s32 s11, $0xFF0;
	_ =	sdelay $0x3  }
0x5a: {  	vm0 =	vge.s32 v16, v0;
	vm1 =	vle.s32 v16, v1  }
0x5b: {  	vm0 =	vmand vm0, vm1  }
0x5c: {  	v16 =	vsel vm0, $0x1, v6  }
0x5d: {  	(xrf0) =	vadd.scan.msk.s32 $0xffff, v16;
	s7 =	spop (v2sf)  }
0x5e: {  	s6 =	sadd.s32 s6, s7  }
0x5f: {  	v16 =	vmov s6  }
0x60: {  	v16 =	vadd.s32 $0xFFFFFFFF, v16  }
0x61: {  	v16 =	vbroadcast v16, $0x0;
	_ =	sdelay $0x1  }
0x62: {  	v17, _, _ =	vpop (xrf0)  }
0x63: {  	v16 =	vadd.s32 v17, v16;
	(v2sf) =	vpush v17, $0xF  }
0x64: {  	v16 =	vsel vm0, v16, v9;
	_ =	sdelay $0x1  }
.Ltmp3:
0x65: {  	(pc) =	sbr.rel @!p0 .LBB2_5-.Ltmp3, $4  }
0x66: {  	_ = 	snop  }
0x67: {  	v17 =	vor.u32 s5, v7;
	s5 =	smov.u32 s11  }
0x68: {  	s23 =	sadd.s32 $0x10, s23;
	[tilespmem:v16+s29+$0x0] =	vst.idx.msk $0xffff, v17  }
0x69: {  	s11 =	sadd.s32 $0x10, s11;
	v16 =	vld [tilespmem:s23+$0x0]  }
0x6a: {  	_ =	sdelay $0x3  }
0x6b: {  	vm0 =	vge.s32 v16, v0;
	vm1 =	vle.s32 v16, v1  }
0x6c: {  	vm0 =	vmand vm0, vm1  }
0x6d: {  	v16 =	vsel vm0, $0x1, v6  }
0x6e: {  	(xrf0) =	vadd.scan.msk.s32 $0xffff, v16;
	_ =	sdelay $0x5  }
0x6f: {  	v16, _, _ =	vpop (xrf0)  }
0x70: {  	(v2sf) =	vpush v16, $0xF;
	_ =	sdelay $0x8  }
0x71: {  	s7 =	spop (v2sf)  }
0x72: {  	s6 =	sadd.s32 s6, s7  }
0x73: {  	v17 =	vmov s6  }
0x74: {  	v17 =	vadd.s32 $0xFFFFFFFF, v17  }
0x75: {  	v17 =	vbroadcast v17, $0x0;
	_ =	sdelay $0x1  }
0x76: {  	v16 =	vadd.s32 v16, v17;
	v17 =	vor.u32 s5, v7;
	s5 =	spop (v2sf)  }
0x77: {  	s11 =	sadd.s32 s6, s5  }
0x78: {  	v16 =	vsel vm0, v16, v9;
	p0 =	slt.s32 s11, $0x1  }
.Ltmp4:
0x79: {  	_ = 	snop;
	(pc) =	sbr.rel @p0 .LBB2_9-.Ltmp4, $2  }
0x7a: {  	_ =	sdelay $0x2  }
0x7b: {  	[tilespmem:v16+s29+$0x0] =	vst.idx.msk $0xffff, v17  }
0x7c: {  	v16 =	vmov s4;
	s4 =	sadd.s32 s6, s5;
	s5 =	simm.s32 $0x0  }
.LBB2_8:
0x7d: {  	v17 =	vmov s5;
	_ =	sdelay $0x4  }
0x7e: {  	v17 =	vld.idx.msk [tilespmem:v17+s29+$0x0], $0xffff;
	_ =	sdelay $0x7  }
0x7f: {  	v18 =	vld.idx.msk [tilespmem:v17+s2+$0x0], $0xffff  }
0x80: {  	v19 =	vld.idx.msk [tilespmem:v17+s15+$0x0], $0xffff;
	_ =	sdelay $0x3  }
0x81: {  	v18 =	vadd.s32 v10, v18  }
0x82: {  	v19 =	vadd.s32 v11, v19;
	v22 =	vsub.s32 v18, v2  }
0x83: {  	v20 =	vcvt.s32.f32 v19;
	v21 =	vcvt.s32.f32 v18;
	v22 =	vshll.u32 v22, $0x8  }
0x84: {  	v22 =	vadd.s32 v19, v22  }
0x85: {  	v20 =	vadd.f32 v20, v20;
	v21 =	vadd.f32 v21, v21;
	vm0 =	vgt.s32 v22, $0x0  }
0x86: {  	v22 =	vnsel vm0, $0x0, v22  }
0x87: {  	v23 =	vld.idx.msk [tilespmem:v17+s16+$0x0], $0xffff;
	v20 =	vadd.f32 $1.000000000e+00, v20;
	v21 =	vadd.f32 $1.000000000e+00, v21;
	v22 =	vmin.u32 v22, $0xFFF  }
0x88: {  	v24 =	vld.idx.msk [tilespmem:v17+s17+$0x0], $0xffff  }
0x89: {  	v20 =	vmul.f32 v20, v8;
	v21 =	vmul.f32 v21, v8;
	_ =	sdelay $0x1  }
0x8a: {  	v25 =	vld.idx.msk [tilespmem:v17+s18+$0x0], $0xffff;
	v20 =	vsub.f32 $1.000000000e+00, v20;
	v21 =	vsub.f32 $1.000000000e+00, v21  }
0x8b: {  	v62 =	vld.idx.msk [tilespmem:v22+s30+$0x0], $0xffff  }
0x8c: {  	v20 =	vsub.f32 v20, v23;
	v21 =	vsub.f32 v21, v24;
	v63 =	vld.idx.msk [tilespmem:v22+s31+$0x0], $0xffff;
	_ =	sdelay $0x1  }
0x8d: {  	v20 =	vmul.f32 v20, v20;
	v21 =	vmul.f32 v21, v21  }
0x8e: {  	v17 =	vadd.s32 v16, v17;
	vm12 =	vge.s32 v18, v2;
	vm1 =	vlt.s32 v18, v1  }
0x8f: {  	vm13 =	vlt.u32 v19, $0x100;
	vm0 =	vmand vm12, vm1;
	v20 =	vadd.f32 v20, v21  }
0x90: {  	vm0 =	vmand vm0, vm13;
	vm14 =	veq.f32 v25, v62;
	vm2 =	vgt.s32 v17, v63  }
0x91: {  	vm3 =	vlt.f32 v25, v62;
	vm1 =	vmand vm14, vm2;
	vm15 =	vle.f32 v20, $1.373291020e-04  }
0x92: {  	vm0 =	vmand vm0, vm15;
	vm1 =	vmor vm3, vm1  }
0x93: {  	vm0 =	vmand vm1, vm0  }
0x94: {  	v18 =	vsel vm0, v22, v9  }
0x95: {  	s5 =	sadd.s32 $0x1, s5  }
0x96: {  	p0 =	sne.s32 s4, s5  }
.Ltmp5:
0x97: {  	_ = 	snop;
	(pc) =	sbr.rel @p0 .LBB2_8-.Ltmp5, $4  }
0x98: {  	_ = 	snop  }
0x99: {  	[tilespmem:v18+s30+$0x0] =	vst.idx.msk $0xffff, v25  }
0x9a: {  	[tilespmem:v18+s31+$0x0] =	vst.idx.msk $0xffff, v17  }
0x9b: {  	[tilespmem:v18+s0+$0x0] =	vst.idx.msk $0xffff, v20  }
.LBB2_9:
0x9c: {  	p0 =	seq.s32 s13, $0x7;
	s4 =	rddreg [dreg:$0xa]  }
0x9d: {  	s1 =	sadd.s32 @!p0 s1, s4  }
0x9e: {  	s4 =	rddreg [dreg:$0x3];
	s1 =	sshrl.u32 @!p0 s1, $0x3  }
0x9f: {  	s5 =	simm.s32 @!p0 $0x0;
	s4 =	sadd.s32 @!p0 s4, s1  }
0xa0: {  	[tilespmem:s5], [sflag:$0x1] =	stream.linear.gather @!p0 [hbm4b:s4+s5], $0x1000, $0x38;
	[tilespmem:$0x13040] =	vst v63  }
0xa1: {  	s4 =	rddreg [dreg:$0x4]  }
0xa2: {  	s6 =	simm.s32 @!p0 $0x2000;
	s4 =	sadd.s32 @!p0 s4, s1  }
0xa3: {  	[tilespmem:s6], [sflag:$0x1] =	stream.linear.gather @!p0 [hbm4b:s4+s5], $0x1000, $0x38;
	[tilespmem:$0x13040] =	vst v63  }
0xa4: {  	s4 =	rddreg [dreg:$0x5]  }
0xa5: {  	s6 =	simm.s32 @!p0 $0x4000;
	s4 =	sadd.s32 @!p0 s4, s1  }
0xa6: {  	[tilespmem:s6], [sflag:$0x1] =	stream.linear.gather @!p0 [hbm4b:s4+s5], $0x1000, $0x38;
	[tilespmem:$0x13040] =	vst v63  }
0xa7: {  	s4 =	sadd.s32 @!p0 s8, s1;
	s6 =	simm.s32 @!p0 $0x6000  }
0xa8: {  	[tilespmem:s6], [sflag:$0x1] =	stream.linear.gather @!p0 [hbm4b:s4+s5], $0x1000, $0x38;
	[tilespmem:$0x13040] =	vst v63  }
0xa9: {  	s1 =	sadd.s32 @!p0 s14, s1;
	s4 =	simm.s32 @!p0 $0x8000  }
0xaa: {  	[tilespmem:s4], [sflag:$0x1] =	stream.linear.gather @!p0 [hbm4b:s1+s5], $0x1000, $0x38;
	[tilespmem:$0x13040] =	vst v63  }
0xab: {  	_ =	swait.ge [sflag:s3], $0x1000  }
0xac: {  	[sflag:s3] =	ssyncset.done $0x0  }
0xad: {  	[sflag:s3] =	ssyncadd.s32 $0xFFFFF000  }
0xae: {  	_ =	swait.ge [sflag:s3], $0x1000  }
0xaf: {  	[sflag:s3] =	ssyncset.done $0x0  }
0xb0: {  	[sflag:s3] =	ssyncadd.s32 $0xFFFFF000  }
0xb1: {  	_ =	swait.ge [sflag:s3], $0x1000  }
0xb2: {  	[sflag:s3] =	ssyncset.done $0x0  }
0xb3: {  	[sflag:s3] =	ssyncadd.s32 $0xFFFFF000  }
0xb4: {  	_ =	swait.ge [sflag:s3], $0x1000  }
0xb5: {  	[sflag:s3] =	ssyncset.done $0x0  }
0xb6: {  	[sflag:s3] =	ssyncadd.s32 $0xFFFFF000  }
0xb7: {  	_ =	swait.ge [sflag:s3], $0x1000  }
0xb8: {  	[sflag:s3] =	ssyncset.done $0x0  }
0xb9: {  	s23 =	simm.s32 $0x1000;
	[sflag:s3] =	ssyncadd.s32 $0xFFFFF000  }
0xba: {  	v16 =	vld [tilespmem:s23+$0x0];
	_ =	sdelay $0x4  }
0xbb: {  	vm0 =	vge.s32 v16, v0;
	vm1 =	vle.s32 v16, v1  }
0xbc: {  	vm0 =	vmand vm0, vm1  }
0xbd: {  	v16 =	vsel vm0, $0x1, v6  }
0xbe: {  	(xrf0) =	vadd.scan.msk.s32 $0xffff, v16;
	_ =	sdelay $0x1  }
0xbf: {  	s1 =	simm.s32 $0x0  }
0xc0: {  	v16 =	vmov s1  }
0xc1: {  	v16 =	vadd.s32 $0xFFFFFFFF, v16  }
0xc2: {  	v16 =	vbroadcast v16, $0x0  }
0xc3: {  	v17, _, _ =	vpop (xrf0)  }
0xc4: {  	v16 =	vadd.s32 v17, v16;
	(v2sf) =	vpush v17, $0xF  }
0xc5: {  	v16 =	vsel vm0, v16, v9;
	_ =	sdelay $0x3  }
0xc6: {  	v18 =	vor.u32 s1, v7  }
0xc7: {  	s5 =	simm.s32 $0x1010;
	[tilespmem:v16+s29+$0x0] =	vst.idx.msk $0xffff, v18  }
0xc8: {  	s6 =	simm.s32 $0x20;
	s4 =	simm.s32 $0x10;
	v16 =	vld [tilespmem:s5+$0x0]  }
.LBB2_10:
0xc9: {  	p0 =	seq.s32 s6, $0xFF0;
	_ =	sdelay $0x3  }
0xca: {  	vm0 =	vge.s32 v16, v0;
	vm1 =	vle.s32 v16, v1  }
0xcb: {  	vm0 =	vmand vm0, vm1  }
0xcc: {  	v16 =	vsel vm0, $0x1, v6  }
0xcd: {  	(xrf0) =	vadd.scan.msk.s32 $0xffff, v16;
	s7 =	spop (v2sf)  }
0xce: {  	s1 =	sadd.s32 s1, s7  }
0xcf: {  	v16 =	vmov s1  }
0xd0: {  	v16 =	vadd.s32 $0xFFFFFFFF, v16  }
0xd1: {  	v16 =	vbroadcast v16, $0x0;
	_ =	sdelay $0x1  }
0xd2: {  	v17, _, _ =	vpop (xrf0)  }
0xd3: {  	v16 =	vadd.s32 v17, v16;
	(v2sf) =	vpush v17, $0xF  }
0xd4: {  	v16 =	vsel vm0, v16, v9;
	_ =	sdelay $0x1  }
.Ltmp6:
0xd5: {  	(pc) =	sbr.rel @!p0 .LBB2_10-.Ltmp6, $4  }
0xd6: {  	_ = 	snop  }
0xd7: {  	v17 =	vor.u32 s4, v7;
	s4 =	smov.u32 s6  }
0xd8: {  	s5 =	sadd.s32 $0x10, s5;
	[tilespmem:v16+s29+$0x0] =	vst.idx.msk $0xffff, v17  }
0xd9: {  	s6 =	sadd.s32 $0x10, s6;
	v16 =	vld [tilespmem:s5+$0x0]  }
0xda: {  	_ =	sdelay $0x3  }
0xdb: {  	vm0 =	vge.s32 v16, v0;
	vm1 =	vle.s32 v16, v1  }
0xdc: {  	vm0 =	vmand vm0, vm1  }
0xdd: {  	v16 =	vsel vm0, $0x1, v6  }
0xde: {  	(xrf0) =	vadd.scan.msk.s32 $0xffff, v16;
	_ =	sdelay $0x5  }
0xdf: {  	v16, _, _ =	vpop (xrf0)  }
0xe0: {  	(v2sf) =	vpush v16, $0xF;
	_ =	sdelay $0x8  }
0xe1: {  	s5 =	spop (v2sf)  }
0xe2: {  	s1 =	sadd.s32 s1, s5  }
0xe3: {  	v17 =	vmov s1  }
0xe4: {  	v17 =	vadd.s32 $0xFFFFFFFF, v17  }
0xe5: {  	v17 =	vbroadcast v17, $0x0;
	_ =	sdelay $0x1  }
0xe6: {  	v16 =	vadd.s32 v16, v17;
	v17 =	vor.u32 s4, v7;
	s4 =	spop (v2sf)  }
0xe7: {  	s5 =	sadd.s32 s1, s4  }
0xe8: {  	v16 =	vsel vm0, v16, v9;
	p0 =	slt.s32 s5, $0x1  }
.Ltmp7:
0xe9: {  	_ = 	snop;
	(pc) =	sbr.rel @p0 .LBB2_14-.Ltmp7, $2  }
0xea: {  	_ =	sdelay $0x2  }
0xeb: {  	[tilespmem:v16+s29+$0x0] =	vst.idx.msk $0xffff, v17  }
0xec: {  	v16 =	vmov s21;
	s1 =	sadd.s32 s1, s4;
	s4 =	simm.s32 $0x0  }
.LBB2_13:
0xed: {  	v17 =	vmov s4;
	_ =	sdelay $0x4  }
0xee: {  	v17 =	vld.idx.msk [tilespmem:v17+s29+$0x0], $0xffff;
	_ =	sdelay $0x7  }
0xef: {  	v18 =	vld.idx.msk [tilespmem:v17+s19+$0x0], $0xffff  }
0xf0: {  	v19 =	vld.idx.msk [tilespmem:v17+s20+$0x0], $0xffff;
	_ =	sdelay $0x3  }
0xf1: {  	v18 =	vadd.s32 v10, v18  }
0xf2: {  	v19 =	vadd.s32 v11, v19;
	v22 =	vsub.s32 v18, v2  }
0xf3: {  	v20 =	vcvt.s32.f32 v19;
	v21 =	vcvt.s32.f32 v18;
	v22 =	vshll.u32 v22, $0x8  }
0xf4: {  	v22 =	vadd.s32 v19, v22  }
0xf5: {  	v20 =	vadd.f32 v20, v20;
	v21 =	vadd.f32 v21, v21;
	vm0 =	vgt.s32 v22, $0x0  }
0xf6: {  	v22 =	vnsel vm0, $0x0, v22  }
0xf7: {  	v23 =	vld.idx.msk [tilespmem:v17+s24+$0x0], $0xffff;
	v20 =	vadd.f32 $1.000000000e+00, v20;
	v21 =	vadd.f32 $1.000000000e+00, v21;
	v22 =	vmin.u32 v22, $0xFFF  }
0xf8: {  	v24 =	vld.idx.msk [tilespmem:v17+s25+$0x0], $0xffff  }
0xf9: {  	v20 =	vmul.f32 v20, v8;
	v21 =	vmul.f32 v21, v8;
	_ =	sdelay $0x1  }
0xfa: {  	v25 =	vld.idx.msk [tilespmem:v17+s26+$0x0], $0xffff;
	v20 =	vsub.f32 $1.000000000e+00, v20;
	v21 =	vsub.f32 $1.000000000e+00, v21  }
0xfb: {  	v62 =	vld.idx.msk [tilespmem:v22+s30+$0x0], $0xffff  }
0xfc: {  	v20 =	vsub.f32 v20, v23;
	v21 =	vsub.f32 v21, v24;
	v63 =	vld.idx.msk [tilespmem:v22+s31+$0x0], $0xffff;
	_ =	sdelay $0x1  }
0xfd: {  	v20 =	vmul.f32 v20, v20;
	v21 =	vmul.f32 v21, v21  }
0xfe: {  	v17 =	vadd.s32 v16, v17;
	vm12 =	vge.s32 v18, v2;
	vm1 =	vlt.s32 v18, v1  }
0xff: {  	vm13 =	vlt.u32 v19, $0x100;
	vm0 =	vmand vm12, vm1;
	v20 =	vadd.f32 v20, v21  }
0x100: {  	vm0 =	vmand vm0, vm13;
	vm14 =	veq.f32 v25, v62;
	vm2 =	vgt.s32 v17, v63  }
0x101: {  	vm3 =	vlt.f32 v25, v62;
	vm1 =	vmand vm14, vm2;
	vm15 =	vle.f32 v20, $1.373291020e-04  }
0x102: {  	vm0 =	vmand vm0, vm15;
	vm1 =	vmor vm3, vm1  }
0x103: {  	vm0 =	vmand vm1, vm0  }
0x104: {  	v18 =	vsel vm0, v22, v9  }
0x105: {  	s4 =	sadd.s32 $0x1, s4  }
0x106: {  	p0 =	sne.s32 s1, s4  }
.Ltmp8:
0x107: {  	_ = 	snop;
	(pc) =	sbr.rel @p0 .LBB2_13-.Ltmp8, $4  }
0x108: {  	_ = 	snop  }
0x109: {  	[tilespmem:v18+s30+$0x0] =	vst.idx.msk $0xffff, v25  }
0x10a: {  	[tilespmem:v18+s31+$0x0] =	vst.idx.msk $0xffff, v17  }
0x10b: {  	[tilespmem:v18+s0+$0x0] =	vst.idx.msk $0xffff, v20  }
.Ltmp9:
0x10c: {  	_ = 	snop;
	(pc) =	sbr.rel .LBB2_14-.Ltmp9, $1  }
0x10d: {  	_ =	sdelay $0x3  }
.LBB2_15:
0x10e: {  	s21 =	simm.s32 $0x0  }
0x10f: {  	v16 =	vld [tilespmem:s21+$0xD030]  }
0x110: {  	v31 =	vld [tilespmem:s21+$0xC020];
	_ =	sdelay $0x3  }
0x111: {  	v16 =	vmul.f32 v16, v12  }
0x112: {  	vm0 =	vgt.s32 v31, $0x0  }
0x113: {  	v17 =	vnsel vm0, $0x0, v31;
	v16 =	vmax.f32 v16, $1.000000050e-03  }
0x114: {  	s9 =	simm.s32 $0x10;
	[tilespmem:s21+$0xC020] =	vst v17;
	v25 =	vmin.f32 v16, $1.000000000e+00  }
0x115: {  	v16 =	vld [tilespmem:s9+$0xC020];
	v17 =	vshrl.u32 v25, $0x1  }
0x116: {  	v18 =	vadd.s32 $0x1FBD1DF5, v17  }
0x117: {  	v17 =	vld [tilespmem:s9+$0xD030];
	(erf) = vrcp.f32 v18;
	_ =	sdelay $0x2  }
0x118: {  	vm0 =	vgt.s32 v16, $0x0  }
0x119: {  	v19 =	vnsel vm0, $0x0, v16  }
0x11a: {  	s13 =	simm.s32 $0x20;
	v17 =	vmul.f32 v17, v12;
	[tilespmem:s9+$0xC020] =	vst v19  }
0x11b: {  	v19 =	vld [tilespmem:s13+$0xD030]  }
0x11c: {  	v17 =	vmax.f32 v17, $1.000000050e-03  }
0x11d: {  	v21 =	vmin.f32 v17, $1.000000000e+00;
	v17 =	vld [tilespmem:s13+$0xC020]  }
0x11e: {  	v20 =	vshrl.u32 v21, $0x1;
	v22 =	vpop (erf)  }
0x11f: {  	v23 =	vadd.s32 $0x1FBD1DF5, v20;
	v20 =	vmul.f32 v22, v25  }
0x120: {  	(erf) = vrcp.f32 v23;
	v19 =	vmul.f32 v19, v12  }
0x121: {  	v18 =	vadd.f32 v18, v20  }
0x122: {  	vm0 =	vgt.s32 v17, $0x0;
	v19 =	vmax.f32 v19, $1.000000050e-03  }
0x123: {  	v22 =	vnsel vm0, $0x0, v17;
	v20 =	vmin.f32 v19, $1.000000000e+00;
	v24 =	vmul.f32 $5.000000000e-01, v18  }
0x124: {  	s23 =	simm.s32 $0x30;
	[tilespmem:s13+$0xC020] =	vst v22;
	v19 =	vshrl.u32 v20, $0x1  }
0x125: {  	v18 =	vld [tilespmem:s23+$0xC020];
	v22 =	vadd.s32 $0x1FBD1DF5, v19;
	(erf) = vrcp.f32 v24  }
0x126: {  	v19 =	vld [tilespmem:s23+$0xD030];
	(erf) = vrcp.f32 v22;
	_ =	sdelay $0x2  }
0x127: {  	v26 =	vpop (erf)  }
0x128: {  	v26 =	vmul.f32 v26, v21;
	vm0 =	vgt.s32 v18, $0x0  }
0x129: {  	v19 =	vmul.f32 v19, v12;
	v27 =	vnsel vm0, $0x0, v18  }
0x12a: {  	s11 =	simm.s32 $0x40;
	v23 =	vadd.f32 v23, v26;
	[tilespmem:s23+$0xC020] =	vst v27  }
0x12b: {  	v19 =	vmax.f32 v19, $1.000000050e-03;
	v26 =	vld [tilespmem:s11+$0xD030]  }
0x12c: {  	v27 =	vmul.f32 $5.000000000e-01, v23;
	v23 =	vmin.f32 v19, $1.000000000e+00;
	v19 =	vld [tilespmem:s11+$0xC020];
	v28 =	vpop (erf)  }
0x12d: {  	v29 =	vshrl.u32 v23, $0x1;
	v28 =	vmul.f32 v28, v25;
	v30 =	vpop (erf)  }
0x12e: {  	(erf) = vrcp.f32 v27;
	v29 =	vadd.s32 $0x1FBD1DF5, v29;
	v30 =	vmul.f32 v30, v20  }
0x12f: {  	(erf) = vrcp.f32 v29  }
0x130: {  	v24 =	vadd.f32 v28, v24;
	v22 =	vadd.f32 v22, v30  }
0x131: {  	v26 =	vmul.f32 v26, v12;
	vm0 =	vgt.s32 v19, $0x0  }
0x132: {  	v28 =	vmul.f32 $5.000000000e-01, v24;
	v32 =	vmul.f32 $5.000000000e-01, v22;
	v22 =	vnsel vm0, $0x0, v19  }
0x133: {  	s1 =	simm.s32 $0x50;
	v24 =	vmax.f32 v26, $1.000000050e-03;
	[tilespmem:s11+$0xC020] =	vst v22  }
0x134: {  	v24 =	vmin.f32 v24, $1.000000000e+00;
	(erf) = vrcp.f32 v28;
	v22 =	vld [tilespmem:s1+$0xC020]  }
0x135: {  	v26 =	vshrl.u32 v24, $0x1  }
0x136: {  	(erf) = vrcp.f32 v32;
	v33 =	vadd.s32 $0x1FBD1DF5, v26;
	v26 =	vld [tilespmem:s1+$0xD030]  }
0x137: {  	(erf) = vrcp.f32 v33;
	v30 =	vpop (erf)  }
0x138: {  	v30 =	vmul.f32 v30, v21;
	v34 =	vpop (erf)  }
0x139: {  	v34 =	vmul.f32 v34, v23;
	vm0 =	vgt.s32 v22, $0x0  }
0x13a: {  	v27 =	vadd.f32 v30, v27;
	v30 =	vnsel vm0, $0x0, v22  }
0x13b: {  	v26 =	vmul.f32 v26, v12;
	v29 =	vadd.f32 v29, v34  }
0x13c: {  	s4 =	simm.s32 $0x60;
	v27 =	vmul.f32 $5.000000000e-01, v27;
	[tilespmem:s1+$0xC020] =	vst v30  }
0x13d: {  	v26 =	vmax.f32 v26, $1.000000050e-03;
	v29 =	vmul.f32 $5.000000000e-01, v29;
	v61 =	vld [tilespmem:s4+$0xD030];
	v30 =	vpop (erf)  }
0x13e: {  	v26 =	vmin.f32 v26, $1.000000000e+00;
	(erf) = vrcp.f32 v27;
	v30 =	vmul.f32 v30, v25  }
0x13f: {  	v36 =	vshrl.u32 v26, $0x1;
	v35 =	vpop (erf);
	v25 =	vld [tilespmem:s4+$0xC020];
	(erf) = vrcp.f32 v29  }
0x140: {  	v35 =	vmul.f32 v35, v20;
	v37 =	vpop (erf);
	v28 =	vadd.f32 v30, v28;
	v30 =	vadd.s32 $0x1FBD1DF5, v36  }
0x141: {  	v62 =	vmul.f32 v37, v24;
	(erf) = vrcp.f32 v30  }
0x142: {  	v32 =	vadd.f32 v35, v32;
	v34 =	vmul.f32 v61, v12  }
0x143: {  	vm0 =	vgt.s32 v31, $0xFFFFFFFF;
	v63 =	vmul.f32 $5.000000000e-01, v28;
	v36 =	vadd.f32 v33, v62  }
0x144: {  	v28 =	vmul.f32 $5.000000000e-01, v32;
	vm1 =	vgt.s32 v25, $0x0;
	v33 =	vmax.f32 v34, $1.000000050e-03  }
0x145: {  	s6 =	simm.s32 $0x1C0;
	s5 =	simm.s32 $0x200;
	v32 =	vsub.f32 $1.000000000e+00, v63;
	v34 =	vnsel vm1, $0x0, v25;
	v31 =	vmul.f32 $5.000000000e-01, v36  }
.LBB2_16:
0x146: {  	p0 =	sne.s32 s5, $0x3FC0;
	v33 =	vmin.f32 v33, $1.000000000e+00;
	(erf) = vrcp.f32 v28  }
0x147: {  	s7 =	sshra.s32 s6, $0x2;
	[tilespmem:s4+$0xC020] =	vst v34;
	v34 =	vpop (erf);
	v32 =	vnsel vm0, $0x0, v32;
	v35 =	vmov v22;
	v22 =	vmov v25;
	s6 =	smov.u32 s5;
	s5 =	sadd.s32 $0x40, s5  }
0x148: {  	v36 =	vld [tilespmem:s7+$0xD030];
	v37 =	vshrl.u32 v33, $0x1;
	(erf) = vrcp.f32 v31;
	v38 =	vpop (erf);
	v34 =	vmul.f32 v34, v21;
	[tilespmem:s21+$0xE040] =	vst v32;
	s21 =	smov.u32 s9;
	s9 =	smov.u32 s13;
	s13 =	smov.u32 s23  }
0x149: {  	v21 =	vmovc v20;
	v20 =	vmovc v23;
	s23 =	smov.u32 s11;
	s11 =	smov.u32 s1;
	s1 =	smov.u32 s4;
	v25 =	vld [tilespmem:s7+$0xC020];
	v32 =	vadd.s32 $0x1FBD1DF5, v37;
	v37 =	vmul.f32 v38, v23;
	v23 =	vmov v24  }
0x14a: {  	s4 =	smov.u32 s7;
	v24 =	vmov v26;
	(erf) = vrcp.f32 v32;
	v38 =	vpop (erf);
	v34 =	vadd.f32 v34, v27  }
.Ltmp10:
0x14b: {  	v26 =	vmovc v33;
	v27 =	vmovc v28;
	v38 =	vmul.f32 v38, v24;
	v37 =	vadd.f32 v37, v29;
	v29 =	vmov v31;
	(pc) =	sbr.rel @p0 .LBB2_16-.Ltmp10, $4  }
0x14c: {  	v31 =	vmul.f32 $5.000000000e-01, v34  }
0x14d: {  	v33 =	vmul.f32 v36, v12;
	v36 =	vadd.f32 v30, v38;
	v28 =	vmul.f32 $5.000000000e-01, v37;
	v30 =	vmovc v32  }
0x14e: {  	vm0 =	vgt.s32 v16, $0xFFFFFFFF;
	v16 =	vmovc v17;
	v17 =	vmovc v18;
	vm1 =	vgt.s32 v25, $0x0;
	v32 =	vsub.f32 $1.000000000e+00, v31  }
0x14f: {  	v18 =	vmovc v19;
	v19 =	vmovc v35;
	v33 =	vmax.f32 v33, $1.000000050e-03;
	v34 =	vnsel vm1, $0x0, v25;
	v31 =	vmul.f32 $5.000000000e-01, v36  }
0x150: {  	s5 =	sshra.s32 s6, $0x2;
	[tilespmem:s4+$0xC020] =	vst v34  }
0x151: {  	v34 =	vld [tilespmem:s5+$0xD030]  }
0x152: {  	v35 =	vpop (erf)  }
0x153: {  	v36 =	vpop (erf)  }
0x154: {  	v36 =	vmul.f32 v36, v23;
	v37 =	vpop (erf)  }
0x155: {  	v33 =	vmin.f32 v33, $1.000000000e+00;
	v37 =	vmul.f32 v37, v26  }
0x156: {  	(erf) = vrcp.f32 v28;
	v29 =	vadd.f32 v36, v29;
	v34 =	vmul.f32 v34, v12  }
0x157: {  	v44 =	vshrl.u32 v33, $0x1;
	(erf) = vrcp.f32 v31;
	v30 =	vadd.f32 v30, v37  }
0x158: {  	v36 =	vadd.s32 $0x1FBD1DF5, v44;
	v29 =	vmul.f32 $5.000000000e-01, v29;
	v34 =	vmax.f32 v34, $1.000000050e-03  }
0x159: {  	(erf) = vrcp.f32 v36;
	v30 =	vmul.f32 $5.000000000e-01, v30;
	v34 =	vmin.f32 v34, $1.000000000e+00  }
0x15a: {  	(erf) = vrcp.f32 v29;
	v45 =	vshrl.u32 v34, $0x1  }
0x15b: {  	(erf) = vrcp.f32 v30;
	v37 =	vadd.s32 $0x1FBD1DF5, v45  }
0x15c: {  	(erf) = vrcp.f32 v37;
	_ =	sdelay $0x3  }
0x15d: {  	v38 =	vpop (erf)  }
0x15e: {  	v39 =	vpop (erf)  }
0x15f: {  	v40 =	vpop (erf)  }
0x160: {  	v39 =	vmul.f32 v39, v24;
	v41 =	vpop (erf)  }
0x161: {  	v40 =	vmul.f32 v40, v33;
	v42 =	vpop (erf)  }
0x162: {  	v46 =	vadd.f32 v39, v31;
	v47 =	vmul.f32 v42, v26;
	v48 =	vpop (erf)  }
0x163: {  	v36 =	vadd.f32 v36, v40;
	v49 =	vmul.f32 v48, v34  }
0x164: {  	v31 =	vmul.f32 $5.000000000e-01, v46;
	v30 =	vadd.f32 v47, v30  }
0x165: {  	v36 =	vmul.f32 $5.000000000e-01, v36;
	v37 =	vadd.f32 v37, v49  }
0x166: {  	(erf) = vrcp.f32 v31;
	v30 =	vmul.f32 $5.000000000e-01, v30  }
0x167: {  	(erf) = vrcp.f32 v36;
	v37 =	vmul.f32 $5.000000000e-01, v37  }
0x168: {  	(erf) = vrcp.f32 v30  }
0x169: {  	(erf) = vrcp.f32 v37;
	_ =	sdelay $0x5  }
0x16a: {  	v50 =	vpop (erf)  }
0x16b: {  	v51 =	vpop (erf)  }
0x16c: {  	v52 =	vpop (erf)  }
0x16d: {  	v40 =	vmul.f32 v51, v33;
	v43 =	vpop (erf)  }
0x16e: {  	v43 =	vmul.f32 v43, v34  }
0x16f: {  	v36 =	vadd.f32 v40, v36  }
0x170: {  	v37 =	vadd.f32 v43, v37  }
0x171: {  	v36 =	vmul.f32 $5.000000000e-01, v36  }
0x172: {  	v37 =	vmul.f32 $5.000000000e-01, v37  }
0x173: {  	v32 =	vnsel vm0, $0x0, v32;
	(erf) = vrcp.f32 v36  }
0x174: {  	[tilespmem:s21+$0xE040] =	vst v32;
	(erf) = vrcp.f32 v37  }
0x175: {  	v21 =	vmul.f32 v35, v21;
	v32 =	vld [tilespmem:s5+$0xC020];
	_ =	sdelay $0x1  }
0x176: {  	v21 =	vadd.f32 v21, v27;
	v20 =	vmul.f32 v38, v20  }
0x177: {  	vm1 =	vgt.s32 v16, $0xFFFFFFFF;
	vm10 =	vgt.s32 v17, $0xFFFFFFFF  }
0x178: {  	vm11 =	vgt.s32 v18, $0xFFFFFFFF;
	v21 =	vmul.f32 $5.000000000e-01, v21;
	v20 =	vadd.f32 v20, v28  }
0x179: {  	vm12 =	vgt.s32 v19, $0xFFFFFFFF;
	vm9 =	vgt.s32 v32, $0x0;
	v53 =	vmul.f32 v41, v23  }
0x17a: {  	v21 =	vsub.f32 $1.000000000e+00, v21;
	v20 =	vmul.f32 $5.000000000e-01, v20;
	v54 =	vmul.f32 v50, v24  }
0x17b: {  	v16 =	vnsel vm9, $0x0, v32;
	v23 =	vadd.f32 v53, v29;
	v55 =	vmul.f32 v52, v26;
	v56 =	vpop (erf)  }
0x17c: {  	v17 =	vsub.f32 $1.000000000e+00, v20;
	v24 =	vadd.f32 v54, v31;
	v26 =	vmul.f32 v56, v33;
	v57 =	vpop (erf)  }
0x17d: {  	v23 =	vmul.f32 $5.000000000e-01, v23;
	v20 =	vadd.f32 v55, v30;
	v27 =	vmul.f32 v57, v34  }
0x17e: {  	v21 =	vnsel vm1, $0x0, v21;
	v24 =	vmul.f32 $5.000000000e-01, v24;
	v26 =	vadd.f32 v26, v36  }
0x17f: {  	[tilespmem:s5+$0xC020] =	vst v16;
	v23 =	vsub.f32 $1.000000000e+00, v23;
	v16 =	vmul.f32 $5.000000000e-01, v20;
	v58 =	vadd.f32 v27, v37  }
0x180: {  	[tilespmem:s9+$0xE040] =	vst v21;
	v17 =	vnsel vm10, $0x0, v17;
	v60 =	vsub.f32 $1.000000000e+00, v24;
	v61 =	vmul.f32 $5.000000000e-01, v26  }
0x181: {  	[tilespmem:s13+$0xE040] =	vst v17;
	v59 =	vnsel vm11, $0x0, v23;
	v16 =	vsub.f32 $1.000000000e+00, v16;
	v17 =	vmul.f32 $5.000000000e-01, v58  }
0x182: {  	vm13 =	vgt.s32 v22, $0xFFFFFFFF;
	[tilespmem:s23+$0xE040] =	vst v59;
	v62 =	vnsel vm12, $0x0, v60;
	v63 =	vsub.f32 $1.000000000e+00, v61  }
0x183: {  	vm14 =	vgt.s32 v25, $0xFFFFFFFF;
	[tilespmem:s11+$0xE040] =	vst v62;
	v16 =	vnsel vm13, $0x0, v16;
	v17 =	vsub.f32 $1.000000000e+00, v17  }
0x184: {  	vm15 =	vgt.s32 v32, $0xFFFFFFFF;
	[tilespmem:s1+$0xE040] =	vst v16;
	v16 =	vnsel vm14, $0x0, v63  }
0x185: {  	s21 =	rddreg [dreg:$0x1];
	[tilespmem:s4+$0xE040] =	vst v16;
	v16 =	vnsel vm15, $0x0, v17  }
0x186: {  	s9 =	simm.s32 $0x80;
	s13 =	simm.s32 $0x0;
	s11 =	simm.s32 $0x0;
	[tilespmem:s5+$0xE040] =	vst v16  }
0x187: {  	[tilespmem:s10], [sflag:$0x3] =	stream.indirect.gather [hbm4b:s21+s9], $0x40, s31, s9, $0xb8;
	[tilespmem:$0x13040] =	vst v63  }
.LBB2_18:
0x188: {  	s1 =	sshll.u32 s13, $0x8;
	s4 =	sadd.s32 $0x0, s11;
	s23 =	simm.s32 $0x0  }
0x189: {  	s6 =	simm.s32 $0x80;
	s7 =	simm.s32 $0x3;
	s5 =	sadd.s32 $0xC0A0, s1;
	v16 =	vmov s4  }
0x18a: {  	v17 =	vor.u32 s23, v7;
	[tilespmem:s12], [sflag:$0x4] =	stream.indirect.gather [hbm4b:s21+s6], $0x40, s5, s6, $0xb8;
	[tilespmem:$0x13040] =	vst v63  }
0x18b: {  	_ =	swait.ge [sflag:s7], $0x2000  }
0x18c: {  	[sflag:s7] =	ssyncset.done $0x0  }
0x18d: {  	[sflag:s7] =	ssyncadd.s32 $0xFFFFE000  }
0x18e: {  	v19 =	vld.idx.msk [tilespmem:v16+s22+$0x0], $0xffff  }
0x18f: {  	v16 =	vld.idx.msk [tilespmem:v17+s10+$0x0], $0xffff;
	_ =	sdelay $0x2  }
0x190: {  	v18 =	vor.u32 s23, v13;
	_ =	sdelay $0x1  }
0x191: {  	v16 =	vmul.f32 v16, v19;
	_ =	sdelay $0x1  }
0x192: {  	[tilespmem:v17+s10+$0x0] =	vst.idx.msk $0xffff, v16  }
0x193: {  	v16 =	vld.idx.msk [tilespmem:v18+s10+$0x0], $0xffff;
	_ =	sdelay $0x2  }
0x194: {  	v17 =	vor.u32 s23, v14;
	_ =	sdelay $0x1  }
0x195: {  	v16 =	vmul.f32 v16, v19;
	_ =	sdelay $0x1  }
0x196: {  	[tilespmem:v18+s10+$0x0] =	vst.idx.msk $0xffff, v16  }
0x197: {  	v18 =	vld.idx.msk [tilespmem:v17+s10+$0x0], $0xffff;
	_ =	sdelay $0x2  }
0x198: {  	v16 =	vor.u32 s23, v15;
	_ =	sdelay $0x1  }
0x199: {  	v18 =	vmul.f32 v18, v19;
	_ =	sdelay $0x1  }
0x19a: {  	[tilespmem:v17+s10+$0x0] =	vst.idx.msk $0xffff, v18  }
0x19b: {  	v20 =	vld.idx.msk [tilespmem:v16+s10+$0x0], $0xffff;
	_ =	sdelay $0x1  }
0x19c: {  	s23 =	sadd.s32 $0x1, s11  }
0x19d: {  	s4 =	simm.s32 $0x40;
	v18 =	vmov s23  }
0x19e: {  	v17 =	vor.u32 s4, v7  }
0x19f: {  	s1 =	sor.u32 $0x80, s1;
	s5 =	simm.s32 $0x2;
	v19 =	vmul.f32 v20, v19  }
.LBB2_19:
0x1a0: {  	_ = 	snop  }
0x1a1: {  	p0 =	sne.s32 s5, $0x7F;
	s6 =	smov.u32 s5;
	s5 =	sadd.s32 $0x1, s5;
	[tilespmem:v16+s10+$0x0] =	vst.idx.msk $0xffff, v19  }
0x1a2: {  	v19 =	vld.idx.msk [tilespmem:v18+s22+$0x0], $0xffff  }
0x1a3: {  	v16 =	vld.idx.msk [tilespmem:v17+s10+$0x0], $0xffff;
	_ =	sdelay $0x3  }
0x1a4: {  	v18 =	vor.u32 s4, v13;
	_ =	sdelay $0x1  }
0x1a5: {  	v16 =	vmul.f32 v16, v19;
	_ =	sdelay $0x1  }
0x1a6: {  	[tilespmem:v17+s10+$0x0] =	vst.idx.msk $0xffff, v16  }
0x1a7: {  	v16 =	vld.idx.msk [tilespmem:v18+s10+$0x0], $0xffff;
	_ =	sdelay $0x3  }
0x1a8: {  	v17 =	vor.u32 s4, v14;
	_ =	sdelay $0x1  }
0x1a9: {  	v16 =	vmul.f32 v16, v19;
	_ =	sdelay $0x1  }
0x1aa: {  	[tilespmem:v18+s10+$0x0] =	vst.idx.msk $0xffff, v16  }
0x1ab: {  	v18 =	vld.idx.msk [tilespmem:v17+s10+$0x0], $0xffff;
	_ =	sdelay $0x3  }
0x1ac: {  	v16 =	vor.u32 s4, v15;
	_ =	sdelay $0x1  }
0x1ad: {  	v18 =	vmul.f32 v18, v19;
	_ =	sdelay $0x1  }
0x1ae: {  	[tilespmem:v17+s10+$0x0] =	vst.idx.msk $0xffff, v18  }
0x1af: {  	v20 =	vld.idx.msk [tilespmem:v16+s10+$0x0], $0xffff;
	_ =	sdelay $0x1  }
.Ltmp11:
0x1b0: {  	(pc) =	sbr.rel @p0 .LBB2_19-.Ltmp11, $4  }
0x1b1: {  	s4 =	sadd.s32 s6, s11  }
0x1b2: {  	v18 =	vmov s4;
	s4 =	sshll.u32 s6, $0x6  }
0x1b3: {  	v17 =	vor.u32 s4, v7  }
0x1b4: {  	v19 =	vmul.f32 v20, v19  }
0x1b5: {  	_ =	sdelay $0x3  }
0x1b6: {  	[tilespmem:v16+s10+$0x0] =	vst.idx.msk $0xffff, v19  }
0x1b7: {  	v16 =	vld.idx.msk [tilespmem:v18+s22+$0x0], $0xffff  }
0x1b8: {  	v18 =	vld.idx.msk [tilespmem:v17+s10+$0x0], $0xffff;
	_ =	sdelay $0x2  }
0x1b9: {  	v19 =	vor.u32 s4, v13;
	_ =	sdelay $0x1  }
0x1ba: {  	v18 =	vmul.f32 v18, v16;
	_ =	sdelay $0x1  }
0x1bb: {  	[tilespmem:v17+s10+$0x0] =	vst.idx.msk $0xffff, v18  }
0x1bc: {  	v17 =	vld.idx.msk [tilespmem:v19+s10+$0x0], $0xffff;
	_ =	sdelay $0x2  }
0x1bd: {  	v18 =	vor.u32 s4, v14;
	_ =	sdelay $0x1  }
0x1be: {  	v17 =	vmul.f32 v17, v16;
	_ =	sdelay $0x1  }
0x1bf: {  	[tilespmem:v19+s10+$0x0] =	vst.idx.msk $0xffff, v17  }
0x1c0: {  	v17 =	vld.idx.msk [tilespmem:v18+s10+$0x0], $0xffff;
	_ =	sdelay $0x2  }
0x1c1: {  	v19 =	vor.u32 s4, v15;
	_ =	sdelay $0x1  }
0x1c2: {  	v17 =	vmul.f32 v17, v16;
	_ =	sdelay $0x1  }
0x1c3: {  	[tilespmem:v18+s10+$0x0] =	vst.idx.msk $0xffff, v17  }
0x1c4: {  	v17 =	vld.idx.msk [tilespmem:v19+s10+$0x0], $0xffff;
	_ =	sdelay $0x4  }
0x1c5: {  	v16 =	vmul.f32 v17, v16  }
0x1c6: {  	s6 =	sshll.u32 s13, $0xB;
	s5 =	rddreg [dreg:$0xb];
	p0 =	seq.s32 s13, $0xF  }
0x1c7: {  	s7 =	simm.s32 $0x5;
	s23 =	sadd.s32 $0x0, s9;
	s4 =	sadd.s32 s6, s5;
	[tilespmem:v19+s10+$0x0] =	vst.idx.msk $0xffff, v16  }
0x1c8: {  	[hbm4b:s4+s2] =	stream.linear.scatter [tilespmem:s10], [sflag:$0x5], $0x2000, $0x38;
	[tilespmem:$0x13040] =	vst v63  }
0x1c9: {  	s6 =	simm.s32 @!p0 $0x80;
	s4 =	sshll.u32 @!p0 s13, $0x8;
	_ =	swait.ge [sflag:s7], $0x2000  }
0x1ca: {  	v16 =	vmov s23;
	s23 =	simm.s32 $0x0;
	s4 =	sand.u32 @!p0 $0x3FFFFF00, s4;
	[sflag:s7] =	ssyncset.done $0x0  }
0x1cb: {  	s4 =	sadd.s32 @!p0 $0xC120, s4;
	[sflag:s7] =	ssyncadd.s32 $0xFFFFE000;
	s7 =	simm.s32 @!p0 $0xF040  }
0x1cc: {  	[tilespmem:s7], [sflag:$0x3] =	stream.indirect.gather @!p0 [hbm4b:s21+s6], $0x40, s4, s6, $0xb8;
	[tilespmem:$0x13040] =	vst v63  }
0x1cd: {  	v17 =	vor.u32 s23, v7;
	s7 =	simm.s32 $0x4  }
0x1ce: {  	_ =	swait.ge [sflag:s7], $0x2000  }
0x1cf: {  	[sflag:s7] =	ssyncset.done $0x0  }
0x1d0: {  	[sflag:s7] =	ssyncadd.s32 $0xFFFFE000  }
0x1d1: {  	v19 =	vld.idx.msk [tilespmem:v16+s22+$0x0], $0xffff  }
0x1d2: {  	v16 =	vld.idx.msk [tilespmem:v17+s12+$0x0], $0xffff;
	_ =	sdelay $0x2  }
0x1d3: {  	v18 =	vor.u32 s23, v13;
	_ =	sdelay $0x1  }
0x1d4: {  	v16 =	vmul.f32 v16, v19;
	_ =	sdelay $0x1  }
0x1d5: {  	[tilespmem:v17+s12+$0x0] =	vst.idx.msk $0xffff, v16  }
0x1d6: {  	v16 =	vld.idx.msk [tilespmem:v18+s12+$0x0], $0xffff;
	_ =	sdelay $0x2  }
0x1d7: {  	v17 =	vor.u32 s23, v14;
	_ =	sdelay $0x1  }
0x1d8: {  	v16 =	vmul.f32 v16, v19;
	_ =	sdelay $0x1  }
0x1d9: {  	[tilespmem:v18+s12+$0x0] =	vst.idx.msk $0xffff, v16  }
0x1da: {  	v18 =	vld.idx.msk [tilespmem:v17+s12+$0x0], $0xffff;
	_ =	sdelay $0x2  }
0x1db: {  	v16 =	vor.u32 s23, v15;
	_ =	sdelay $0x1  }
0x1dc: {  	v18 =	vmul.f32 v18, v19;
	_ =	sdelay $0x1  }
0x1dd: {  	[tilespmem:v17+s12+$0x0] =	vst.idx.msk $0xffff, v18  }
0x1de: {  	v20 =	vld.idx.msk [tilespmem:v16+s12+$0x0], $0xffff;
	_ =	sdelay $0x1  }
0x1df: {  	s23 =	sadd.s32 $0x1, s9  }
0x1e0: {  	s5 =	simm.s32 $0x40;
	v18 =	vmov s23  }
0x1e1: {  	v17 =	vor.u32 s5, v7  }
0x1e2: {  	s4 =	simm.s32 $0x2;
	v19 =	vmul.f32 v20, v19  }
.LBB2_21:
0x1e3: {  	_ = 	snop  }
0x1e4: {  	p0 =	sne.s32 s4, $0x7F;
	s6 =	smov.u32 s4;
	s4 =	sadd.s32 $0x1, s4;
	[tilespmem:v16+s12+$0x0] =	vst.idx.msk $0xffff, v19  }
0x1e5: {  	v19 =	vld.idx.msk [tilespmem:v18+s22+$0x0], $0xffff  }
0x1e6: {  	v16 =	vld.idx.msk [tilespmem:v17+s12+$0x0], $0xffff;
	_ =	sdelay $0x3  }
0x1e7: {  	v18 =	vor.u32 s5, v13;
	_ =	sdelay $0x1  }
0x1e8: {  	v16 =	vmul.f32 v16, v19;
	_ =	sdelay $0x1  }
0x1e9: {  	[tilespmem:v17+s12+$0x0] =	vst.idx.msk $0xffff, v16  }
0x1ea: {  	v16 =	vld.idx.msk [tilespmem:v18+s12+$0x0], $0xffff;
	_ =	sdelay $0x3  }
0x1eb: {  	v17 =	vor.u32 s5, v14;
	_ =	sdelay $0x1  }
0x1ec: {  	v16 =	vmul.f32 v16, v19;
	_ =	sdelay $0x1  }
0x1ed: {  	[tilespmem:v18+s12+$0x0] =	vst.idx.msk $0xffff, v16  }
0x1ee: {  	v18 =	vld.idx.msk [tilespmem:v17+s12+$0x0], $0xffff;
	_ =	sdelay $0x3  }
0x1ef: {  	v16 =	vor.u32 s5, v15;
	_ =	sdelay $0x1  }
0x1f0: {  	v18 =	vmul.f32 v18, v19;
	_ =	sdelay $0x1  }
0x1f1: {  	[tilespmem:v17+s12+$0x0] =	vst.idx.msk $0xffff, v18  }
0x1f2: {  	v20 =	vld.idx.msk [tilespmem:v16+s12+$0x0], $0xffff;
	_ =	sdelay $0x1  }
.Ltmp12:
0x1f3: {  	(pc) =	sbr.rel @p0 .LBB2_21-.Ltmp12, $4  }
0x1f4: {  	s5 =	sadd.s32 s6, s9  }
0x1f5: {  	v18 =	vmov s5;
	s5 =	sshll.u32 s6, $0x6  }
0x1f6: {  	v17 =	vor.u32 s5, v7  }
0x1f7: {  	v19 =	vmul.f32 v20, v19  }
0x1f8: {  	_ =	sdelay $0x3  }
0x1f9: {  	[tilespmem:v16+s12+$0x0] =	vst.idx.msk $0xffff, v19  }
0x1fa: {  	v16 =	vld.idx.msk [tilespmem:v18+s22+$0x0], $0xffff  }
0x1fb: {  	v60 =	vld.idx.msk [tilespmem:v17+s12+$0x0], $0xffff;
	_ =	sdelay $0x2  }
0x1fc: {  	v61 =	vor.u32 s5, v13;
	_ =	sdelay $0x1  }
0x1fd: {  	v18 =	vmul.f32 v60, v16;
	_ =	sdelay $0x1  }
0x1fe: {  	[tilespmem:v17+s12+$0x0] =	vst.idx.msk $0xffff, v18  }
0x1ff: {  	v17 =	vld.idx.msk [tilespmem:v61+s12+$0x0], $0xffff;
	_ =	sdelay $0x2  }
0x200: {  	v62 =	vor.u32 s5, v14;
	_ =	sdelay $0x1  }
0x201: {  	v17 =	vmul.f32 v17, v16;
	_ =	sdelay $0x1  }
0x202: {  	[tilespmem:v61+s12+$0x0] =	vst.idx.msk $0xffff, v17  }
0x203: {  	v17 =	vld.idx.msk [tilespmem:v62+s12+$0x0], $0xffff;
	_ =	sdelay $0x2  }
0x204: {  	v63 =	vor.u32 s5, v15;
	_ =	sdelay $0x1  }
0x205: {  	v17 =	vmul.f32 v17, v16;
	_ =	sdelay $0x1  }
0x206: {  	[tilespmem:v62+s12+$0x0] =	vst.idx.msk $0xffff, v17  }
0x207: {  	v17 =	vld.idx.msk [tilespmem:v63+s12+$0x0], $0xffff;
	_ =	sdelay $0x4  }
0x208: {  	s13 =	sadd.s32 $0x1, s13;
	v16 =	vmul.f32 v17, v16  }
0x209: {  	s1 =	sshll.u32 s1, $0x3;
	s4 =	rddreg [dreg:$0xb];
	p0 =	sne.s32 s13, $0x10  }
.Ltmp13:
0x20a: {  	s23 =	simm.s32 $0x6;
	s1 =	sadd.s32 s1, s4;
	[tilespmem:v63+s12+$0x0] =	vst.idx.msk $0xffff, v16;
	(pc) =	sbr.rel @p0 .LBB2_18-.Ltmp13, $4  }
0x20b: {  	[hbm4b:s1+s2] =	stream.linear.scatter [tilespmem:s12], [sflag:$0x6], $0x2000, $0x38;
	[tilespmem:$0x13040] =	vst v63  }
0x20c: {  	_ =	swait.ge [sflag:s23], $0x2000  }
0x20d: {  	[sflag:s23] =	ssyncset.done $0x0  }
0x20e: {  	s11 =	sadd.s32 $0x100, s11;
	s9 =	sadd.s32 $0x100, s9;
	[sflag:s23] =	ssyncadd.s32 $0xFFFFE000  }
0x20f: {  	s4 =	rddreg [dreg:$0xf]  }
0x210: {  	s1 =	rddreg [dreg:$0xe];
	s4 =	sadd.s32 $0x1, s4  }
0x211: {  	p0 =	sne.s32 s4, s1  }
.Ltmp14:
0x212: {  	_ = 	snop;
	(pc) =	sbr.rel @p0 .LBB2_1-.Ltmp14, $1  }
0x213: {  	_ =	sdelay $0x3  }
0x214: {  	_ =	sfence.sel $0x180000  }
0x215: {  	[bflag:$0x0] =	sbarrier.arrive $0xFFFF  }
0x216: {  	_ =	strace $0x9000004A  }
0x217: {  	s0 =	stileid.u32;
	[bflag:$0x2] =	sbarrier.arrive $0xFFFF  }
0x218: {  	p0 =	sne.s32 s0, $0x0;
	s0 =	rddreg [dreg:$0x2]  }
0x219: {  	s0 =	sadd.s32 @!p0 $0x100000, s0  }
0x21a: {  	[sflag:s0] =	ssyncadd.tile.s32 @!p0 $0x1;
	_ =	shalt  }
.Lfunc_end2:
_tile_overlayer_lowered:
.L_overlay_start_2:
0x21b: {  	(tag) =	ssettag $0x2  }
0x21c: {  	s0 =	rddreg [dreg:$0x0];
	s2 =	stileid.u32  }
0x21d: {  	s1 =	rddreg [dreg:$0x1];
	p0 =	sne.s32 s2, $0x0  }
0x21e: {  	s3 =	rddreg [dreg:$0x2];
	[bflag:$0x3] =	sbarrier.arrive $0xFFFF;
	s2 =	simm.s32 @!p0 $0x1C07  }
0x21f: {  	[timem:s3], [sflag:s2] =	dma.local @!p0 [hbm:s0], s1  }
0x220: {  	s0 =	simm.s32 @!p0 $0x7  }
0x221: {  	_ =	swait.ge @!p0 [sflag:s0], s1  }
0x222: {  	s1 =	ssub.s32 @!p0 $0x0, s1;
	[sflag:s0] =	ssyncset.done @!p0 $0x0  }
0x223: {  	[sflag:s0] =	ssyncadd.s32 @!p0 s1  }
0x224: {  	[bflag:$0x3] =	sbarrier.arrive $0xFFFF  }
0x225: {  	_ =	shalt  }

// kernel: sparse-core-data-format-call.1.cloned.1.call-start
scs
called_computation.1_lowered:
.L_overlay_start_0:
0x0: {  	s2 =	sld [smem:$0x3FD9]  }
0x1: {  	s3 =	sld [smem:$0x3FFE];
	_ =	sdelay $0x1  }
0x2: {  	s1 =	srdreg.scid  }
0x3: {  	s0 =	sand.u32 $0x1, s1  }
0x4: {  	s18 =	sshll.u32 s0, $0xA;
	s2 =	sadd.s32 s3, s2  }
0x5: {  	s2 =	sadd.s32 s2, s18  }
0x6: {  	[smem:$0x3FC6] =	sst s2  }
0x7: {  	_ = 	snop  }
0x8: {  	s2 =	sld [smem:$0x3FC8];
	(tm) =	ssettm $0x1  }
0x9: {  	s19 =	sld [smem:$0x3FFB];
	_ =	sdelay $0x3  }
0xa: {  	_ =	strace s19  }
0xb: {  	s3 =	sld [smem:$0x3FFC];
	_ =	sdelay $0x3  }
0xc: {  	_ =	strace s3  }
0xd: {  	s3 =	sld [smem:$0x3FFD];
	_ =	sdelay $0x3  }
0xe: {  	_ =	strace s3  }
0xf: {  	_ =	strace $0x8FFFFFFF  }
0x10: {  	s20 =	sld [smem:$0x3FDB];
	_ =	sdelay $0x1  }
0x11: {  	s4 =	simm.s32 $_scs_section_size  }
0x12: {  	s5 =	simm.s32 $_size__tile_overlayer_lowered;
	s6 =	simm.s32 $_tile_overlayer_lowered  }
0x13: {  	s23 =	simm.s32 $0x1BFF;
	s22 =	sshll.u32 s6, $0x1;
	s3 =	sadd.s32 s4, s20  }
0x14: {  	s7 =	simm.s32 $0x0;
	s21 =	sshll.u32 s5, $0x1;
	s5 =	sadd.s32 s22, s3  }
0x15: {  	[timem:s7], [sflag:s23] =	dma.local [hbm:s5], s21  }
0x16: {  	_ =	swait.ge [sflag:s23], s21  }
0x17: {  	s4 =	ssub.s32 $0x0, s21;
	[sflag:s23] =	ssyncset.done $0x0  }
0x18: {  	[sflag:s23] =	ssyncadd.s32 s4;
	_ =	sdelay $0x1  }
0x19: {  	s24 =	simm.s32 $0x1B8B  }
0x1a: {  	_ =	swait.ge [sflag:s24], $0x1  }
0x1b: {  	[sflag:s24] =	ssyncset.done $0x0  }
0x1c: {  	s26 =	simm.s32 $0x1B8E;
	s25 =	sld [smem:$0x3FFE];
	[sflag:s24] =	ssyncadd.s32 $0xFFFFFFFF  }
0x1d: {  	s27 =	simm.s32 $execute0_lowered;
	[smem:$0x3FD2] =	sst s26  }
0x1e: {  	s5 =	sshll.u32 s27, $0x1;
	_ =	strace $0x80000046;
	[dreg:$0x1] =	wrdreg $0xFFFFFFFF  }
0x1f: {  	s28 =	simm.s32 $_size_execute0_lowered;
	s3 =	sadd.s32 s3, s5;
	[dreg:$0x0] =	wrdreg $0x0  }
0x20: {  	s5 =	sshll.u32 s28, $0x1;
	[dreg:$0x2] =	wrdreg s3  }
0x21: {  	[dreg:$0x3] =	wrdreg s5  }
0x22: {  	[dreg:$0x4] =	wrdreg $0xC0  }
0x23: {  	_ =	task [dreg:s7], $0x5FFFF  }
0x24: {  	[dreg:$0x1] =	wrdreg $0xFFFFFFFF  }
0x25: {  	[dreg:$0x0] =	wrdreg $0x60  }
0x26: {  	[dreg:$0x2] =	wrdreg s2  }
0x27: {  	[dreg:$0x3] =	wrdreg s25  }
0x28: {  	[dreg:$0x4] =	wrdreg $0x9  }
0x29: {  	_ =	task.clear_ibuf [dreg:s7], $0x5FFFF;
	_ =	strace $0x90000046  }
0x2a: {  	s29 =	simm.s32 $0x9;
	_ =	strace $0x80000048  }
0x2b: {  	_ =	swait.ge [sflag:s29], $0x1  }
0x2c: {  	[sflag:s29] =	ssyncadd.s32 $0xFFFFFFFF  }
0x2d: {  	_ =	strace $0x90000048  }
0x2e: {  	_ =	sfence  }
0x2f: {  	s30 =	sld [smem:$0x0];
	_ =	sdelay $0x2  }
0x30: {  	s31 =	sshll.u32 s1, $0xD;
	s1 =	sshrl.u32 s1, $0x2  }
0x31: {  	s3 =	sand.u32 $0x4000, s31;
	s1 =	sadd.s32 s1, s30  }
0x32: {  	s0 =	sor.u32 s3, s0;
	s1 =	sshll.u32 s1, $0x11  }
0x33: {  	s0 =	sor.u32 s1, s0  }
0x34: {  	s0 =	sadd.s32 $0x8F2B, s0  }
0x35: {  	[sflag:s0] =	ssyncadd.remote.s32 $0x1  }
0x36: {  	_ =	sfence.sel $0xFFFF  }
0x37: {  	[dreg:$0x0] =	wrdreg $0xFFFFFFFF;
	(pc) =	sbr.abs _section_cstart, $3  }
0x38: {  	[dreg:$0x1] =	wrdreg $0xFFFFFFFF  }
0x39: {  	_ =	task.clear_ibuf [dreg:s7], $0x2FFFF;
	_ =	strace $0x9FFFFFFF  }
0x3a: {  	(tm) =	ssettm $0x7FFFFFFF  }
0x3b: {  	_ =	shalt  }
tec
execute0_lowered:
.L_overlay_start_1:
0x0: {  	(tag) =	ssettag $0x1  }
0x1: {  	s0 =	stileid.u32  }
0x2: {  	s1 =	srdreg.scid;
	s7 =	rddreg [dreg:$0x1]  }
0x3: {  	s31 =	simm.s32 $0x2;
	s16 =	simm.s32 $0x0;
	s14 =	simm.s32 $0x0  }
0x4: {  	s15 =	simm.s32 $0x0;
	s2 =	sshll.u32 s0, $0x7;
	s1 =	sshll.u32 s1, $0xB  }
0x5: {  	s11 =	simm.s32 $0x0;
	s3 =	sand.u32 $0x1, s0;
	s1 =	sor.u32 s2, s1  }
0x6: {  	s13 =	simm.s32 $0x0;
	s5 =	ssub.s32 $0x2, s3;
	s1 =	sand.u32 $0xF00, s1  }
0x7: {  	s8 =	sshrl.u32 s5, $0x1;
	s5 =	sand.u32 $0x1, s5;
	s4 =	ssub.s32 $0x10000, s1  }
0x8: {  	s2 =	rddreg [dreg:$0x0];
	s8 =	sadd.s32 s5, s8;
	s6 =	sand.u32 $0xF00, s4  }
0x9: {  	s5 =	simm.s32 $0x1;
	p0 =	sne.s32 s6, $0x0;
	s6 =	simm.s32 $0x1  }
.Ltmp0:
0xa: {  	s9 =	sshrl.u32 s4, $0xC;
	s6 =	simm.s32 @!p0 $0x0;
	(pc) =	sbr.rel .LBB1_1-.Ltmp0, $4  }
0xb: {  	s4 =	rddreg [dreg:$0x2];
	_ =	strace $0x80000047;
	s6 =	sadd.s32 s6, s9  }
0xc: {  	s7 =	sadd.s32 $0x1200, s7;
	[sflag:s5] =	ssyncpa.u1 $0x0;
	s6 =	smul.u32 s8, s6  }
0xd: {  	s12 =	smov.u32 s3;
	s10 =	smov.u32 s1;
	[sflag:s31] =	ssyncpa.u1 $0x0  }
0xe: {  	p0 =	por $0x0, $0x0;
	s9 =	simm.s32 $0x80;
	s8 =	sadd.s32 $0x1, s6  }
.LBB1_4:
0xf: {  	_ = 	snop  }
0x10: {  	[tilespmem:s21+$0x1860 ss:$0x41] =	vst.msk $0xffff, v8  }
0x11: {  	[tilespmem:s21+$0x1C70 ss:$0x41] =	vst.msk $0xffff, v7  }
0x12: {  	[tilespmem:s21+$0x2490 ss:$0x41] =	vst.msk $0xffff, v1  }
0x13: {  	s24 =	sor.u32 s27, s26;
	v47 =	vld.idx.msk [tilespmem:v0+s19+$0x470 ss:$0x1], $0xffff;
	[tilespmem:s21+$0x28A0 ss:$0x41] =	vst.msk $0xffff, v2  }
0x14: {  	[tilespmem:s21+$0x2CB0 ss:$0x41] =	vst.msk $0xffff, v3;
	v57 =	vld.idx.msk [tilespmem:v0+s24+$0x410 ss:$0x1], $0xffff  }
0x15: {  	[tilespmem:s21+$0x30C0 ss:$0x41] =	vst.msk $0xffff, v4;
	v58 =	vld.idx.msk [tilespmem:v0+s24+$0x420 ss:$0x1], $0xffff  }
0x16: {  	[tilespmem:s21+$0x34D0 ss:$0x41] =	vst.msk $0xffff, v5;
	v59 =	vld.idx.msk [tilespmem:v0+s24+$0x430 ss:$0x1], $0xffff  }
0x17: {  	s27 =	sshra.s32 s22, $0x2;
	[tilespmem:s21+$0x38E0 ss:$0x41] =	vst.msk $0xffff, v6;
	v60 =	vld.idx.msk [tilespmem:v0+s24+$0x440 ss:$0x1], $0xffff  }
0x18: {  	s25 =	sand.u32 $0x3B00, s24;
	s19 =	sadd.s32 s27, s20;
	v61 =	vld.idx.msk [tilespmem:v0+s24+$0x450 ss:$0x1], $0xffff;
	[tilespmem:s21+$0x3CF0 ss:$0x41] =	vst.msk $0xffff, v47  }
0x19: {  	s23 =	sand.u32 $0x80, s23;
	v62 =	vld.idx.msk [tilespmem:v0+s24+$0x460 ss:$0x1], $0xffff;
	s18 =	sadd.s32 s25, s18;
	[tilespmem:s19+$0x2490 ss:$0x41] =	vst.msk $0xffff, v57  }
0x1a: {  	v63 =	vld.idx.msk [tilespmem:v0+s24+$0x470 ss:$0x1], $0xffff;
	s18 =	sadd.s32 s23, s18;
	[tilespmem:s19+$0x28A0 ss:$0x41] =	vst.msk $0xffff, v58  }
0x1b: {  	v48 =	vld [tilespmem:s18+$0x400];
	[tilespmem:s19+$0x2CB0 ss:$0x41] =	vst.msk $0xffff, v59  }
0x1c: {  	v49 =	vld [tilespmem:s18+$0x0];
	[tilespmem:s19+$0x30C0 ss:$0x41] =	vst.msk $0xffff, v60  }
0x1d: {  	v50 =	vld [tilespmem:s18+$0x10];
	[tilespmem:s19+$0x34D0 ss:$0x41] =	vst.msk $0xffff, v61  }
0x1e: {  	v51 =	vld [tilespmem:s18+$0x20];
	[tilespmem:s19+$0x38E0 ss:$0x41] =	vst.msk $0xffff, v62  }
0x1f: {  	v52 =	vld [tilespmem:s18+$0x30];
	[tilespmem:s19+$0x3CF0 ss:$0x41] =	vst.msk $0xffff, v63  }
0x20: {  	v53 =	vld [tilespmem:s18+$0x40];
	[tilespmem:s19+$0x2080 ss:$0x41] =	vst.msk $0xffff, v48  }
0x21: {  	v54 =	vld [tilespmem:s18+$0x50];
	[tilespmem:s19+$0x0 ss:$0x41] =	vst.msk $0xffff, v49  }
0x22: {  	s16 =	sshll.u32 s16, $0x7;
	s28 =	sshll.u32 s14, $0x3;
	v55 =	vld [tilespmem:s18+$0x60];
	[tilespmem:s19+$0x410 ss:$0x41] =	vst.msk $0xffff, v50  }
0x23: {  	s29 =	sand.u32 $0x7FFC00, s16;
	v56 =	vld [tilespmem:s18+$0x70];
	s18 =	sand.u32 $0x7FFC00, s28;
	[tilespmem:s19+$0x820 ss:$0x41] =	vst.msk $0xffff, v51  }
0x24: {  	s15 =	sshll.u32 s15, $0x14;
	s16 =	sand.u32 $0x380, s16;
	s18 =	sadd.s32 s18, s29;
	[tilespmem:s19+$0xC30 ss:$0x41] =	vst.msk $0xffff, v52  }
0x25: {  	s30 =	sshrl.u32 s14, $0x3;
	s31 =	sand.u32 $0x7, s14;
	s16 =	sor.u32 s16, s18;
	[tilespmem:s19+$0x1040 ss:$0x41] =	vst.msk $0xffff, v53  }
0x26: {  	s15 =	sadd.s32 s7, s15;
	s18 =	sand.u32 $0xF, s30;
	s16 =	sshrl.u32 s16, $0x3;
	[tilespmem:s19+$0x1450 ss:$0x41] =	vst.msk $0xffff, v54  }
0x27: {  	s14 =	sshll.u32 s31, $0x12;
	s15 =	sadd.s32 s18, s15;
	s16 =	sand.u32 $0xFFFF0, s16;
	[tilespmem:s19+$0x1860 ss:$0x41] =	vst.msk $0xffff, v55  }
0x28: {  	s14 =	sor.u32 $0x40, s14;
	[tilespmem:s19+$0x1C70 ss:$0x41] =	vst.msk $0xffff, v56;
	s15 =	sadd.s32 s16, s15  }
0x29: {  	[hbm4b:s15+s14] =	stream.strided.scatter [tilespmem:s17], [sflag:$0x2], $0x4000, s9, s14, $0x18;
	[tilespmem:$0x10200] =	vst v63  }
.LBB1_5:
0x2a: {  	s17 =	sadd.s32 $0x1000, s10  }
0x2b: {  	s14 =	sadd.s32 $0x40, s11;
	s18 =	smov.u32 s11;
	p2 =	sgt.s32 s17, $0xFFFF  }
0x2c: {  	s18 =	smov.u32 @p2 s14  }
0x2d: {  	s20 =	smov.u32 s12;
	s14 =	sadd.s32 $0x2, s12;
	p3 =	sgt.s32 s18, $0x3F  }
0x2e: {  	s20 =	smov.u32 @p3 s14  }
0x2f: {  	s17 =	smov.u32 @p2 s1;
	p2 =	sgt.s32 s20, $0x1  }
0x30: {  	p1 =	slt.u32 s13, $0x2;
	s20 =	smov.u32 @p2 s3;
	p2 =	sne.s32 s13, s8  }
.Ltmp1:
0x31: {  	s19 =	simm.s32 @!p1 $0x2;
	(pc) =	sbr.rel @!p2 .LBB1_6-.Ltmp1, $4  }
0x32: {  	s16 =	smov.u32 s10;
	s15 =	smov.u32 s12;
	_ =	swait.ge @!p1 [sflag:s19], $0x4000  }
0x33: {  	p0 =	por !p0, !p0;
	[sflag:s19] =	ssyncset.done @!p1 $0x0;
	s10 =	smov.u32 s17  }
0x34: {  	s18 =	simm.s32 @p3 $0x0;
	s14 =	smov.u32 s11;
	[sflag:s19] =	ssyncadd.s32 @!p1 $0xFFFFC000  }
0x35: {  	s11 =	smov.u32 s18;
	s13 =	sadd.s32 $0x1, s13;
	s12 =	smov.u32 s20  }
.LBB1_1:
0x36: {  	p1 =	sge.u32 s13, s6;
	s31 =	sadd.s32 $0xFFFFFFFF, s13  }
0x37: {  	s17 =	sxor.u32 @!p1 $0xFFFFFFFF, s13;
	s18 =	sand.u32 @!p1 $0x78, s10;
	s19 =	sshll.u32 @!p1 s11, $0x10  }
0x38: {  	s20 =	sshll.u32 @!p1 s11, $0x7;
	s21 =	sshll.u32 @!p1 s10, $0x3;
	s17 =	sshll.u32 @!p1 s17, $0xE  }
0x39: {  	s19 =	sand.u32 @!p1 $0x380000, s19;
	s20 =	sand.u32 @!p1 $0x380, s20;
	s17 =	sand.u32 @!p1 $0x4000, s17  }
0x3a: {  	s19 =	sadd.s32 @!p1 s19, s21;
	s21 =	sand.u32 @!p1 $0xFC00, s21;
	s18 =	sor.u32 @!p1 s20, s18  }
0x3b: {  	s20 =	sshll.u32 @!p1 s12, $0x13;
	s18 =	sor.u32 @!p1 s21, s18;
	s19 =	sshrl.u32 @!p1 s19, $0x3  }
0x3c: {  	s20 =	sadd.s32 @!p1 s2, s20;
	s21 =	sand.u32 @!p1 $0x7, s10;
	s19 =	sand.u32 @!p1 $0x7E000, s19  }
0x3d: {  	s18 =	sshrl.u32 @!p1 s18, $0x3;
	s19 =	sadd.s32 @!p1 s19, s20;
	s20 =	sshll.u32 @!p1 s21, $0x12  }
0x3e: {  	s18 =	sadd.s32 @!p1 s18, s19;
	s19 =	sor.u32 @!p1 $0x800, s20;
	s20 =	simm.s32 @!p1 $0x80000  }
0x3f: {  	[tilespmem:s17], [sflag:$0x1] =	stream.strided.gather @!p1 [hbm4b:s18+s19], $0x4000, s20, s19, $0x38;
	[tilespmem:$0x10200] =	vst v63  }
0x40: {  	p1 =	sge.u32 s31, s6  }
.Ltmp2:
0x41: {  	_ = 	snop;
	(pc) =	sbr.rel @p1 .LBB1_5-.Ltmp2, $1  }
0x42: {  	_ =	sdelay $0x3  }
0x43: {  	s20 =	simm.s32 $0x0  }
0x44: {  	s19 =	sand.u32 $0x3800, s20;
	s21 =	sand.u32 $0x380, s20  }
0x45: {  	s17 =	sand.u32 $0x1, s13;
	s19 =	sor.u32 s21, s19  }
0x46: {  	_ =	swait.ge [sflag:s5], $0x4000;
	s18 =	sshll.u32 s17, $0xE;
	s21 =	sand.u32 $0x3B00, s19  }
0x47: {  	[sflag:s5] =	ssyncset.done $0x0;
	s20 =	sand.u32 $0x80, s20;
	s21 =	sadd.s32 s21, s18  }
0x48: {  	[sflag:s5] =	ssyncadd.s32 $0xFFFFC000;
	s23 =	sadd.s32 s20, s21  }
0x49: {  	v4 =	vld [tilespmem:s23+$0x400]  }
0x4a: {  	s22 =	simm.s32 $0x1;
	v5 =	vld [tilespmem:s23+$0x0]  }
0x4b: {  	s22 =	simm.s32 @!p0 $0x0;
	v6 =	vld [tilespmem:s23+$0x10]  }
0x4c: {  	v0 =	vmov s18;
	s31 =	smul.u32 $0x10400, s22;
	v7 =	vld [tilespmem:s23+$0x20]  }
0x4d: {  	v9 =	vld [tilespmem:s23+$0x30]  }
0x4e: {  	s20 =	sshrl.u32 s31, $0x2;
	v10 =	vld [tilespmem:s23+$0x40]  }
0x4f: {  	s20 =	sor.u32 $0x8000, s20;
	v11 =	vld [tilespmem:s23+$0x50]  }
0x50: {  	v8 =	vld [tilespmem:s23+$0x60];
	s21 =	sadd.s32 $0x0, s20  }
0x51: {  	v1 =	vld.idx.msk [tilespmem:v0+s19+$0x410 ss:$0x1], $0xffff;
	[tilespmem:s21+$0x2080 ss:$0x41] =	vst.msk $0xffff, v4  }
0x52: {  	v2 =	vld.idx.msk [tilespmem:v0+s19+$0x420 ss:$0x1], $0xffff;
	[tilespmem:s21+$0x0 ss:$0x41] =	vst.msk $0xffff, v5  }
0x53: {  	v3 =	vld.idx.msk [tilespmem:v0+s19+$0x430 ss:$0x1], $0xffff;
	[tilespmem:s21+$0x410 ss:$0x41] =	vst.msk $0xffff, v6  }
0x54: {  	s17 =	smul.u32 $0x10400, s17;
	[tilespmem:s21+$0x820 ss:$0x41] =	vst.msk $0xffff, v7;
	v7 =	vld [tilespmem:s23+$0x70]  }
0x55: {  	s24 =	simm.s32 $0x100;
	s25 =	simm.s32 $0x8;
	[tilespmem:s21+$0xC30 ss:$0x41] =	vst.msk $0xffff, v9;
	v4 =	vld.idx.msk [tilespmem:v0+s19+$0x440 ss:$0x1], $0xffff  }
0x56: {  	s26 =	sand.u32 $0x3800, s24;
	s17 =	sshrl.u32 s17, $0x2;
	[tilespmem:s21+$0x1040 ss:$0x41] =	vst.msk $0xffff, v10;
	v5 =	vld.idx.msk [tilespmem:v0+s19+$0x450 ss:$0x1], $0xffff;
	s23 =	simm.s32 $0x80  }
0x57: {  	s22 =	simm.s32 $0x4;
	s17 =	sor.u32 $0x8000, s17;
	[tilespmem:s21+$0x1450 ss:$0x41] =	vst.msk $0xffff, v11;
	v6 =	vld.idx.msk [tilespmem:v0+s19+$0x460 ss:$0x1], $0xffff;
	s27 =	sand.u32 $0x380, s23  }
.LBB1_3:
0x58: {  	p1 =	sne.s32 s25, $0xFC;
	[tilespmem:s21+$0x1860 ss:$0x41] =	vst.msk $0xffff, v8;
	v8 =	vld.idx.msk [tilespmem:v0+s19+$0x470 ss:$0x1], $0xffff;
	s19 =	sor.u32 s27, s26  }
0x59: {  	s26 =	sand.u32 $0x3B00, s19;
	v9 =	vld.idx.msk [tilespmem:v0+s19+$0x410 ss:$0x1], $0xffff;
	[tilespmem:s21+$0x1C70 ss:$0x41] =	vst.msk $0xffff, v7  }
0x5a: {  	s27 =	sand.u32 $0x80, s23;
	s26 =	sadd.s32 s26, s18;
	v7 =	vld.idx.msk [tilespmem:v0+s19+$0x420 ss:$0x1], $0xffff;
	[tilespmem:s21+$0x2490 ss:$0x41] =	vst.msk $0xffff, v1  }
0x5b: {  	s26 =	sadd.s32 s27, s26;
	v10 =	vld.idx.msk [tilespmem:v0+s19+$0x430 ss:$0x1], $0xffff;
	[tilespmem:s21+$0x28A0 ss:$0x41] =	vst.msk $0xffff, v2  }
0x5c: {  	v11 =	vld [tilespmem:s26+$0x400];
	[tilespmem:s21+$0x2CB0 ss:$0x41] =	vst.msk $0xffff, v3  }
0x5d: {  	v12 =	vld [tilespmem:s26+$0x0];
	[tilespmem:s21+$0x30C0 ss:$0x41] =	vst.msk $0xffff, v4  }
0x5e: {  	v4 =	vld [tilespmem:s26+$0x10];
	[tilespmem:s21+$0x34D0 ss:$0x41] =	vst.msk $0xffff, v5  }
0x5f: {  	s27 =	sshra.s32 s22, $0x2;
	s22 =	smov.u32 s25;
	v1 =	vmov v9;
	v5 =	vld [tilespmem:s26+$0x20];
	[tilespmem:s21+$0x38E0 ss:$0x41] =	vst.msk $0xffff, v6  }
0x60: {  	v2 =	vmov v7;
	v6 =	vld [tilespmem:s26+$0x30];
	[tilespmem:s21+$0x3CF0 ss:$0x41] =	vst.msk $0xffff, v8;
	s21 =	sadd.s32 s27, s20  }
0x61: {  	v3 =	vmov v10;
	v9 =	vld [tilespmem:s26+$0x40];
	[tilespmem:s21+$0x2080 ss:$0x41] =	vst.msk $0xffff, v11  }
0x62: {  	[tilespmem:s21+$0x0 ss:$0x41] =	vst.msk $0xffff, v12;
	v10 =	vld [tilespmem:s26+$0x50]  }
.Ltmp3:
0x63: {  	[tilespmem:s21+$0x410 ss:$0x41] =	vst.msk $0xffff, v4;
	v8 =	vld [tilespmem:s26+$0x60];
	(pc) =	sbr.rel @p1 .LBB1_3-.Ltmp3, $4  }
0x64: {  	[tilespmem:s21+$0x820 ss:$0x41] =	vst.msk $0xffff, v5;
	v7 =	vld [tilespmem:s26+$0x70]  }
0x65: {  	[tilespmem:s21+$0xC30 ss:$0x41] =	vst.msk $0xffff, v6;
	v4 =	vld.idx.msk [tilespmem:v0+s19+$0x440 ss:$0x1], $0xffff  }
0x66: {  	s23 =	sadd.s32 $0x80, s23;
	s24 =	sadd.s32 $0x100, s24;
	[tilespmem:s21+$0x1040 ss:$0x41] =	vst.msk $0xffff, v9;
	v5 =	vld.idx.msk [tilespmem:v0+s19+$0x450 ss:$0x1], $0xffff  }
0x67: {  	s25 =	sadd.s32 $0x4, s25;
	s27 =	sand.u32 $0x380, s23;
	s26 =	sand.u32 $0x3800, s24;
	[tilespmem:s21+$0x1450 ss:$0x41] =	vst.msk $0xffff, v10;
	v6 =	vld.idx.msk [tilespmem:v0+s19+$0x460 ss:$0x1], $0xffff  }
.Ltmp4:
0x68: {  	_ = 	snop;
	(pc) =	sbr.rel .LBB1_4-.Ltmp4, $1  }
0x69: {  	_ =	sdelay $0x3  }
.LBB1_6:
0x6a: {  	_ =	sfence.sel $0x180000  }
0x6b: {  	s1 =	simm.s32 $0x1;
	[bflag:$0x0] =	sbarrier.arrive $0xFFFF  }
0x6c: {  	s31 =	simm.s32 $0x2;
	[sflag:s1] =	ssyncpa.u1 $0x1  }
0x6d: {  	[sflag:s31] =	ssyncpa.u1 $0x1  }
0x6e: {  	p0 =	sne.s32 s0, $0x0;
	_ =	strace $0x90000047  }
0x6f: {  	s0 =	sadd.s32 @!p0 $0x100000, s4;
	[bflag:$0x2] =	sbarrier.arrive $0xFFFF  }
0x70: {  	[sflag:s0] =	ssyncadd.tile.s32 @!p0 $0x1;
	_ =	shalt  }
.Lfunc_end1:
_tile_overlayer_lowered:
.L_overlay_start_2:
0x71: {  	(tag) =	ssettag $0x2  }
0x72: {  	s0 =	rddreg [dreg:$0x0];
	s2 =	stileid.u32  }
0x73: {  	s1 =	rddreg [dreg:$0x1];
	p0 =	sne.s32 s2, $0x0  }
0x74: {  	s3 =	rddreg [dreg:$0x2];
	[bflag:$0x3] =	sbarrier.arrive $0xFFFF;
	s2 =	simm.s32 @!p0 $0x1C01  }
0x75: {  	[timem:s3], [sflag:s2] =	dma.local @!p0 [hbm:s0], s1  }
0x76: {  	s0 =	simm.s32 @!p0 $0x1  }
0x77: {  	_ =	swait.ge @!p0 [sflag:s0], s1  }
0x78: {  	s1 =	ssub.s32 @!p0 $0x0, s1;
	[sflag:s0] =	ssyncset.done @!p0 $0x0  }
0x79: {  	[sflag:s0] =	ssyncadd.s32 @!p0 s1  }
0x7a: {  	[bflag:$0x3] =	sbarrier.arrive $0xFFFF  }
0x7b: {  	_ =	shalt  }

// kernel: sparse-core-data-format-call.cloned.1.call-start
scs
called_computation_lowered:
.L_overlay_start_0:
0x0: {  	s2 =	sld [smem:$0x3FD9]  }
0x1: {  	s3 =	sld [smem:$0x3FFE];
	_ =	sdelay $0x1  }
0x2: {  	s1 =	srdreg.scid  }
0x3: {  	s0 =	sand.u32 $0x1, s1  }
0x4: {  	s18 =	sshll.u32 s0, $0xA;
	s2 =	sadd.s32 s3, s2  }
0x5: {  	s2 =	sadd.s32 s2, s18  }
0x6: {  	[smem:$0x3FC6] =	sst s2  }
0x7: {  	_ = 	snop  }
0x8: {  	s2 =	sld [smem:$0x3FD0];
	(tm) =	ssettm $0x1  }
0x9: {  	s19 =	sld [smem:$0x3FFB];
	_ =	sdelay $0x3  }
0xa: {  	_ =	strace s19  }
0xb: {  	s3 =	sld [smem:$0x3FFC];
	_ =	sdelay $0x3  }
0xc: {  	_ =	strace s3  }
0xd: {  	s3 =	sld [smem:$0x3FFD];
	_ =	sdelay $0x3  }
0xe: {  	_ =	strace s3  }
0xf: {  	_ =	strace $0x8FFFFFFF  }
0x10: {  	s20 =	sld [smem:$0x3FDB];
	_ =	sdelay $0x1  }
0x11: {  	s4 =	simm.s32 $_scs_section_size  }
0x12: {  	s5 =	simm.s32 $_size__tile_overlayer_lowered;
	s6 =	simm.s32 $_tile_overlayer_lowered  }
0x13: {  	s23 =	simm.s32 $0x1BFF;
	s22 =	sshll.u32 s6, $0x1;
	s3 =	sadd.s32 s4, s20  }
0x14: {  	s7 =	simm.s32 $0x0;
	s21 =	sshll.u32 s5, $0x1;
	s5 =	sadd.s32 s22, s3  }
0x15: {  	[timem:s7], [sflag:s23] =	dma.local [hbm:s5], s21  }
0x16: {  	_ =	swait.ge [sflag:s23], s21  }
0x17: {  	s4 =	ssub.s32 $0x0, s21;
	[sflag:s23] =	ssyncset.done $0x0  }
0x18: {  	[sflag:s23] =	ssyncadd.s32 s4;
	_ =	sdelay $0x1  }
0x19: {  	s24 =	simm.s32 $0x1B8B  }
0x1a: {  	_ =	swait.ge [sflag:s24], $0x1  }
0x1b: {  	[sflag:s24] =	ssyncset.done $0x0  }
0x1c: {  	s26 =	simm.s32 $0x1B8E;
	s25 =	sld [smem:$0x3FFE];
	[sflag:s24] =	ssyncadd.s32 $0xFFFFFFFF  }
0x1d: {  	s27 =	simm.s32 $execute0_lowered;
	[smem:$0x3FD2] =	sst s26  }
0x1e: {  	s5 =	sshll.u32 s27, $0x1;
	_ =	strace $0x8000004C;
	[dreg:$0x1] =	wrdreg $0xFFFFFFFF  }
0x1f: {  	s28 =	simm.s32 $_size_execute0_lowered;
	s3 =	sadd.s32 s3, s5;
	[dreg:$0x0] =	wrdreg $0x0  }
0x20: {  	s5 =	sshll.u32 s28, $0x1;
	[dreg:$0x2] =	wrdreg s3  }
0x21: {  	[dreg:$0x3] =	wrdreg s5  }
0x22: {  	[dreg:$0x4] =	wrdreg $0xC0  }
0x23: {  	_ =	task [dreg:s7], $0x5FFFF  }
0x24: {  	[dreg:$0x1] =	wrdreg $0xFFFFFFFF  }
0x25: {  	[dreg:$0x0] =	wrdreg $0x60  }
0x26: {  	[dreg:$0x2] =	wrdreg s25  }
0x27: {  	[dreg:$0x3] =	wrdreg s2  }
0x28: {  	[dreg:$0x4] =	wrdreg $0x9  }
0x29: {  	_ =	task.clear_ibuf [dreg:s7], $0x5FFFF;
	_ =	strace $0x9000004C  }
0x2a: {  	s29 =	simm.s32 $0x9;
	_ =	strace $0x8000004E  }
0x2b: {  	_ =	swait.ge [sflag:s29], $0x1  }
0x2c: {  	[sflag:s29] =	ssyncadd.s32 $0xFFFFFFFF  }
0x2d: {  	_ =	strace $0x9000004E  }
0x2e: {  	_ =	sfence  }
0x2f: {  	s30 =	sld [smem:$0x0];
	_ =	sdelay $0x2  }
0x30: {  	s31 =	sshll.u32 s1, $0xD;
	s1 =	sshrl.u32 s1, $0x2  }
0x31: {  	s3 =	sand.u32 $0x4000, s31;
	s1 =	sadd.s32 s1, s30  }
0x32: {  	s0 =	sor.u32 s3, s0;
	s1 =	sshll.u32 s1, $0x11  }
0x33: {  	s0 =	sor.u32 s1, s0  }
0x34: {  	s0 =	sadd.s32 $0x8F2B, s0  }
0x35: {  	[sflag:s0] =	ssyncadd.remote.s32 $0x1  }
0x36: {  	_ =	sfence.sel $0xFFFF  }
0x37: {  	[dreg:$0x0] =	wrdreg $0xFFFFFFFF;
	(pc) =	sbr.abs _section_cstart, $3  }
0x38: {  	[dreg:$0x1] =	wrdreg $0xFFFFFFFF  }
0x39: {  	_ =	task.clear_ibuf [dreg:s7], $0x2FFFF;
	_ =	strace $0x9FFFFFFF  }
0x3a: {  	(tm) =	ssettm $0x7FFFFFFF  }
0x3b: {  	_ =	shalt  }
tec
execute0_lowered:
.L_overlay_start_1:
0x0: {  	(tag) =	ssettag $0x1  }
0x1: {  	s1 =	srdreg.scid;
	s8 =	rddreg [dreg:$0x0]  }
0x2: {  	s0 =	stileid.u32;
	s2 =	rddreg [dreg:$0x1]  }
0x3: {  	s31 =	simm.s32 $0x2;
	s15 =	simm.s32 $0x0;
	s10 =	simm.s32 $0x10000  }
0x4: {  	s17 =	simm.s32 $0x0;
	s16 =	simm.s32 $0x0;
	s1 =	sshll.u32 s1, $0x4  }
0x5: {  	s11 =	simm.s32 $0x0;
	s3 =	sand.u32 $0x1, s0;
	s1 =	sor.u32 s0, s1  }
0x6: {  	s14 =	simm.s32 $0x0;
	s5 =	ssub.s32 $0x2, s3;
	s4 =	sand.u32 $0x1E, s1  }
0x7: {  	s1 =	rddreg [dreg:$0x2];
	s9 =	sshll.u32 s5, $0x1;
	s6 =	ssub.s32 $0x100, s4  }
0x8: {  	_ =	strace $0x8000004D;
	s9 =	sand.u32 $0x2, s9;
	s7 =	sand.u32 $0x1E, s6  }
0x9: {  	s6 =	sshrl.u32 s6, $0x5;
	p0 =	sne.s32 s7, $0x0;
	s7 =	simm.s32 $0x1  }
.Ltmp0:
0xa: {  	s9 =	sadd.s32 s9, s5;
	s7 =	simm.s32 @!p0 $0x0;
	(pc) =	sbr.rel .LBB1_1-.Ltmp0, $4  }
0xb: {  	s5 =	simm.s32 $0x1;
	s30 =	sand.u32 $0x6, s9;
	s6 =	sadd.s32 s7, s6  }
0xc: {  	s13 =	smov.u32 s3;
	[sflag:s5] =	ssyncpa.u1 $0x0;
	s6 =	smul.u32 s6, s30  }
0xd: {  	s12 =	smov.u32 s4;
	[sflag:s31] =	ssyncpa.u1 $0x0;
	p0 =	por $0x0, $0x0  }
0xe: {  	s7 =	sadd.s32 $0x101200, s8;
	s8 =	sadd.s32 $0x102200, s8;
	s9 =	sor.u32 $0x1, s6  }
.LBB1_7:
0xf: {  	s18 =	sadd.s32 $0x80, s11  }
0x10: {  	s15 =	sadd.s32 $0x20, s12;
	s19 =	smov.u32 s12;
	p2 =	sgt.s32 s18, $0xFF  }
0x11: {  	s19 =	smov.u32 @p2 s15  }
0x12: {  	s21 =	smov.u32 s13;
	s15 =	sadd.s32 $0x2, s13;
	p3 =	sgt.s32 s19, $0xFF  }
0x13: {  	s21 =	smov.u32 @p3 s15  }
0x14: {  	s18 =	simm.s32 @p2 $0x0;
	p2 =	sgt.s32 s21, $0x1  }
0x15: {  	p1 =	slt.u32 s14, $0x2;
	s21 =	smov.u32 @p2 s3;
	p2 =	sne.s32 s14, s9  }
.Ltmp1:
0x16: {  	s20 =	simm.s32 @!p1 $0x2;
	(pc) =	sbr.rel @!p2 .LBB1_8-.Ltmp1, $4  }
0x17: {  	s17 =	smov.u32 s12;
	s16 =	smov.u32 s13;
	_ =	swait.ge @!p1 [sflag:s20], $0x4000  }
0x18: {  	p0 =	por !p0, !p0;
	[sflag:s20] =	ssyncset.done @!p1 $0x0;
	s19 =	smov.u32 @p3 s4  }
0x19: {  	s15 =	smov.u32 s11;
	[sflag:s20] =	ssyncadd.s32 @!p1 $0xFFFFC000;
	s11 =	smov.u32 s18  }
0x1a: {  	s12 =	smov.u32 s19;
	s14 =	sadd.s32 $0x1, s14;
	s13 =	smov.u32 s21  }
.LBB1_1:
0x1b: {  	p1 =	sge.u32 s14, s6  }
0x1c: {  	s18 =	sxor.u32 @!p1 $0xFFFFFFFF, s14;
	s19 =	sshll.u32 @!p1 s13, $0x14  }
0x1d: {  	s20 =	sshll.u32 @!p1 s12, $0xC;
	s22 =	sshll.u32 @!p1 s11, $0x4;
	s23 =	simm.s32 @!p1 $0x40  }
0x1e: {  	s24 =	simm.s32 @!p1 $0x80;
	s18 =	sshll.u32 @!p1 s18, $0xE;
	s21 =	sadd.s32 @!p1 s19, s20  }
0x1f: {  	s22 =	sand.u32 @!p1 $0xFF0, s22;
	s19 =	sadd.s32 @!p1 s19, s8;
	s21 =	sadd.s32 @!p1 s7, s21  }
0x20: {  	s18 =	sand.u32 @!p1 $0x4000, s18;
	s19 =	sadd.s32 @!p1 s20, s19;
	s21 =	sadd.s32 @!p1 s22, s21  }
0x21: {  	[tilespmem:s18], [sflag:$0x1] =	stream.strided.gather @!p1 [hbm4b:s21+s23], $0x2000, s24, s23, $0x38;
	[tilespmem:$0x10100] =	vst v63  }
0x22: {  	s31 =	sadd.s32 $0xFFFFFFFF, s14;
	s19 =	sadd.s32 @!p1 s22, s19;
	s18 =	sor.u32 @!p1 $0x2000, s18  }
0x23: {  	[tilespmem:s18], [sflag:$0x1] =	stream.strided.gather @!p1 [hbm4b:s19+s23], $0x2000, s24, s23, $0x38;
	[tilespmem:$0x10100] =	vst v63  }
0x24: {  	p1 =	sge.u32 s31, s6  }
.Ltmp2:
0x25: {  	_ = 	snop;
	(pc) =	sbr.rel @p1 .LBB1_7-.Ltmp2, $1  }
0x26: {  	_ =	sdelay $0x3  }
0x27: {  	s18 =	simm.s32 $0x1;
	s20 =	sand.u32 $0x1, s14  }
0x28: {  	_ =	swait.ge [sflag:s5], $0x4000;
	s18 =	simm.s32 @!p0 $0x0;
	s20 =	smul.u32 $0x10200, s20  }
0x29: {  	p2 =	por $0x1, $0x1;
	[sflag:s5] =	ssyncset.done $0x0;
	s19 =	smul.u32 $0x10200, s18  }
0x2a: {  	s21 =	sshll.u32 s18, $0x10;
	[sflag:s5] =	ssyncadd.s32 $0xFFFFC000;
	s30 =	sshrl.u32 s20, $0x2  }
0x2b: {  	s31 =	sshrl.u32 s21, $0x2;
	s21 =	simm.s32 $0x0;
	s19 =	sshrl.u32 s19, $0x2  }
0x2c: {  	s18 =	sor.u32 $0x8000, s30;
	s20 =	sadd.s32 $0x20, s31;
	s19 =	sor.u32 $0x8000, s19  }
.LBB1_3:
0x2d: {  	s22 =	sshll.u32 s21, $0xD  }
0x2e: {  	s22 =	sand.u32 $0x3FFFE000, s22  }
0x2f: {  	s24 =	sadd.s32 s22, s20  }
0x30: {  	s31 =	smul.u32 $0x204, s21;
	v3 =	vld [tilespmem:s24+$0x10]  }
0x31: {  	v1 =	vld [tilespmem:s24+$0xFFFFFFF0]  }
0x32: {  	s21 =	sshra.s32 s31, $0x2;
	v0 =	vld [tilespmem:s24+$0x0]  }
0x33: {  	s21 =	sadd.s32 s21, s19;
	v2 =	vld [tilespmem:s24+$0xFFFFFFE0]  }
0x34: {  	s22 =	sadd.s32 $0x0, s21  }
0x35: {  	p1 =	por p2, p2;
	s23 =	simm.s32 $0x4;
	s24 =	sadd.s32 $0x40, s24;
	[tilespmem:s22+$0x3060 ss:$0x102] =	vst.msk $0xffff, v3  }
.LBB1_4:
0x36: {  	v3 =	vld [tilespmem:s24+$0x10];
	p2 =	sne.s32 s23, $0x1FC;
	[tilespmem:s22+$0x1020 ss:$0x102] =	vst.msk $0xffff, v1;
	s25 =	smov.u32 s23;
	s23 =	sadd.s32 $0x4, s23  }
.Ltmp3:
0x37: {  	v1 =	vld [tilespmem:s24+$0xFFFFFFF0];
	[tilespmem:s22+$0x2040 ss:$0x102] =	vst.msk $0xffff, v0;
	(pc) =	sbr.rel @p2 .LBB1_4-.Ltmp3, $4  }
0x38: {  	v0 =	vld [tilespmem:s24+$0x0];
	[tilespmem:s22+$0x0 ss:$0x102] =	vst.msk $0xffff, v2  }
0x39: {  	s22 =	sshra.s32 s25, $0x2;
	v2 =	vld [tilespmem:s24+$0xFFFFFFE0]  }
0x3a: {  	s22 =	sadd.s32 s22, s21  }
0x3b: {  	s24 =	sadd.s32 $0x40, s24;
	[tilespmem:s22+$0x3060 ss:$0x102] =	vst.msk $0xffff, v3  }
.Ltmp4:
0x3c: {  	(pc) =	sbr.rel @p1 .LBB1_3-.Ltmp4, $4  }
0x3d: {  	_ = 	snop  }
0x3e: {  	[tilespmem:s22+$0x1020 ss:$0x102] =	vst.msk $0xffff, v1  }
0x3f: {  	[tilespmem:s22+$0x2040 ss:$0x102] =	vst.msk $0xffff, v0  }
0x40: {  	s21 =	simm.s32 $0x1;
	p2 =	por $0x0, $0x0;
	[tilespmem:s22+$0x0 ss:$0x102] =	vst.msk $0xffff, v2  }
0x41: {  	s19 =	sshll.u32 s17, $0x8;
	s20 =	sshll.u32 s15, $0x3  }
0x42: {  	s29 =	sshll.u32 s17, $0x7;
	s21 =	sand.u32 $0x78, s15;
	s16 =	sshll.u32 s16, $0x13  }
0x43: {  	s31 =	sand.u32 $0x7, s15;
	s19 =	sand.u32 $0xF800, s19;
	s20 =	sand.u32 $0xFC00, s20  }
0x44: {  	s30 =	sand.u32 $0x300, s29;
	s17 =	sand.u32 $0x80, s29;
	s19 =	sadd.s32 s19, s20  }
.Ltmp5:
0x45: {  	s17 =	sor.u32 s21, s17;
	s19 =	sor.u32 s30, s19;
	(pc) =	sbr.rel .LBB1_7-.Ltmp5, $4  }
0x46: {  	s16 =	sadd.s32 s2, s16;
	s17 =	sshrl.u32 s17, $0x3;
	s19 =	sshrl.u32 s19, $0x3  }
0x47: {  	s15 =	sshll.u32 s31, $0x12;
	s16 =	sadd.s32 s17, s16;
	s19 =	sand.u32 $0x1FE0, s19  }
0x48: {  	s15 =	sor.u32 $0x100, s15;
	s16 =	sadd.s32 s19, s16  }
0x49: {  	[hbm4b:s16+s15] =	stream.strided.scatter [tilespmem:s18], [sflag:$0x2], $0x4000, s10, s15, $0x20;
	[tilespmem:$0x10100] =	vst v63  }
.LBB1_8:
0x4a: {  	_ =	sfence.sel $0x180000  }
0x4b: {  	s2 =	simm.s32 $0x1;
	[bflag:$0x0] =	sbarrier.arrive $0xFFFF  }
0x4c: {  	s31 =	simm.s32 $0x2;
	[sflag:s2] =	ssyncpa.u1 $0x1  }
0x4d: {  	[sflag:s31] =	ssyncpa.u1 $0x1  }
0x4e: {  	p0 =	sne.s32 s0, $0x0;
	_ =	strace $0x9000004D  }
0x4f: {  	s0 =	sadd.s32 @!p0 $0x100000, s1;
	[bflag:$0x2] =	sbarrier.arrive $0xFFFF  }
0x50: {  	[sflag:s0] =	ssyncadd.tile.s32 @!p0 $0x1;
	_ =	shalt  }
.Lfunc_end1:
_tile_overlayer_lowered:
.L_overlay_start_2:
0x51: {  	(tag) =	ssettag $0x2  }
0x52: {  	s0 =	rddreg [dreg:$0x0];
	s2 =	stileid.u32  }
0x53: {  	s1 =	rddreg [dreg:$0x1];
	p0 =	sne.s32 s2, $0x0  }
0x54: {  	s3 =	rddreg [dreg:$0x2];
	[bflag:$0x3] =	sbarrier.arrive $0xFFFF;
	s2 =	simm.s32 @!p0 $0x1C01  }
0x55: {  	[timem:s3], [sflag:s2] =	dma.local @!p0 [hbm:s0], s1  }
0x56: {  	s0 =	simm.s32 @!p0 $0x1  }
0x57: {  	_ =	swait.ge @!p0 [sflag:s0], s1  }
0x58: {  	s1 =	ssub.s32 @!p0 $0x0, s1;
	[sflag:s0] =	ssyncset.done @!p0 $0x0  }
0x59: {  	[sflag:s0] =	ssyncadd.s32 @!p0 s1  }
0x5a: {  	[bflag:$0x3] =	sbarrier.arrive $0xFFFF  }
0x5b: {  	_ =	shalt  }

</sc_bundles>
